<compile_context>
chip_gen: v7x
topology: tpu7x:2x2x1
jax: 0.10.2.dev20260603
libtpu: 0.0.44.dev20260713+nightly
codegen_flags: <defaults>
</compile_context>

<pallas_src>
import jax
import jax.numpy as jnp
import numpy as np
from jax.experimental import pallas as pl

_N = 5000
_NC = 91
_IMG_H, _IMG_W = 800.0, 800.0
_SCORE_THRESH = 0.05
_NMS_THRESH = 0.5
_DETS = 100
_TOPK = 1000
_PAD = 1024
_WX, _WY, _WW, _WH = 10.0, 10.0, 5.0, 5.0
_XFORM_CLIP = float(np.log(1000.0 / 16.0))
_LANES = 128
_ROWS_BLK = 1000
_S_BLK = 128


def _decode_kernel(logits_ref, dx_ref, dy_ref, dw_ref, dh_ref,
                   px1_ref, py1_ref, px2_ref, py2_ref,
                   score_ref, x1_ref, y1_ref, x2_ref, y2_ref):
    l = logits_ref[...]
    m = jnp.max(l, axis=1, keepdims=True)
    e = jnp.exp(l - m)
    p = e / jnp.sum(e, axis=1, keepdims=True)

    w = px2_ref[...] - px1_ref[...]
    h = py2_ref[...] - py1_ref[...]
    cx = px1_ref[...] + 0.5 * w
    cy = py1_ref[...] + 0.5 * h
    dx = dx_ref[...] / _WX
    dy = dy_ref[...] / _WY
    dw = jnp.minimum(dw_ref[...] / _WW, _XFORM_CLIP)
    dh = jnp.minimum(dh_ref[...] / _WH, _XFORM_CLIP)
    pcx = dx * w + cx
    pcy = dy * h + cy
    pw = jnp.exp(dw) * w
    ph = jnp.exp(dh) * h
    x1 = jnp.clip(pcx - 0.5 * pw, 0.0, _IMG_W)
    y1 = jnp.clip(pcy - 0.5 * ph, 0.0, _IMG_H)
    x2 = jnp.clip(pcx + 0.5 * pw, 0.0, _IMG_W)
    y2 = jnp.clip(pcy + 0.5 * ph, 0.0, _IMG_H)
    valid = (p > _SCORE_THRESH) & ((x2 - x1) >= 0.01) & ((y2 - y1) >= 0.01)
    score_ref[...] = jnp.where(valid, p, -1.0)
    x1_ref[...] = x1
    y1_ref[...] = y1
    x2_ref[...] = x2
    y2_ref[...] = y2


def _smat_kernel(x1r_ref, y1r_ref, x2r_ref, y2r_ref, labr_ref,
                 x1c_ref, y1c_ref, x2c_ref, y2c_ref, labc_ref,
                 s_ref):
    i = pl.program_id(0)
    x1c = x1c_ref[...]
    y1c = y1c_ref[...]
    x2c = x2c_ref[...]
    y2c = y2c_ref[...]
    scale = jnp.maximum(jnp.maximum(jnp.max(x1c), jnp.max(y1c)),
                        jnp.maximum(jnp.max(x2c), jnp.max(y2c))) + 1.0
    offc = labc_ref[...] * scale
    offr = labr_ref[...] * scale
    ox1c, oy1c, ox2c, oy2c = x1c + offc, y1c + offc, x2c + offc, y2c + offc
    ox1r = x1r_ref[...] + offr
    oy1r = y1r_ref[...] + offr
    ox2r = x2r_ref[...] + offr
    oy2r = y2r_ref[...] + offr
    area_r = (ox2r - ox1r) * (oy2r - oy1r)
    area_c = (ox2c - ox1c) * (oy2c - oy1c)
    ltx = jnp.maximum(ox1r, ox1c)
    lty = jnp.maximum(oy1r, oy1c)
    rbx = jnp.minimum(ox2r, ox2c)
    rby = jnp.minimum(oy2r, oy2c)
    ww = jnp.maximum(rbx - ltx, 0.0)
    hh = jnp.maximum(rby - lty, 0.0)
    inter = ww * hh
    iou = inter / (area_r + area_c - inter + 1e-9)
    row = jax.lax.broadcasted_iota(jnp.int32, (_S_BLK, _PAD), 0) + i * _S_BLK
    col = jax.lax.broadcasted_iota(jnp.int32, (_S_BLK, _PAD), 1)
    s_ref[...] = jnp.where((iou > _NMS_THRESH) & (row < col), 1.0, 0.0)


def _nms_kernel(s_ref, sco_ref, x1_ref, y1_ref, x2_ref, y2_ref, lab_ref,
                osc_ref, ox1_ref, oy1_ref, ox2_ref, oy2_ref, olab_ref):
    s_mat = s_ref[...]
    sco = sco_ref[...]
    validf = jnp.where(sco > 0.0, 1.0, 0.0)

    def fp_cond(st):
        return st[1]

    def fp_body(st):
        k, _ = st
        supp = jax.lax.dot_general(
            k, s_mat, (((1,), (0,)), ((), ())),
            preferred_element_type=jnp.float32)
        newk = jnp.where(supp > 0.5, 0.0, validf)
        changed = jnp.sum(jnp.abs(newk - k)) > 0.0
        return newk, changed

    keep, _ = jax.lax.while_loop(fp_cond, fp_body,
                                 (validf, jnp.bool_(True)))

    vals = jnp.where(keep > 0.5, sco, -1.0)
    iota_l = jax.lax.broadcasted_iota(jnp.int32, (1, _PAD), 1)
    iota_o = jax.lax.broadcasted_iota(jnp.int32, (1, _LANES), 1)
    x1 = x1_ref[...]
    y1 = y1_ref[...]
    x2 = x2_ref[...]
    y2 = y2_ref[...]
    lab = lab_ref[...]
    zero_o = jnp.zeros((1, _LANES), jnp.float32)

    def sel_body(t, st):
        vals, a_s, a_x1, a_y1, a_x2, a_y2, a_l = st
        m = jnp.max(vals, keepdims=True)
        idx = jnp.min(jnp.where(vals == m, iota_l, _PAD + 1), keepdims=True)
        oh = jnp.where(iota_l == idx, 1.0, 0.0)
        oho = jnp.where(iota_o == t, 1.0, 0.0)
        a_s = a_s + oho * m
        a_x1 = a_x1 + oho * jnp.sum(oh * x1, keepdims=True)
        a_y1 = a_y1 + oho * jnp.sum(oh * y1, keepdims=True)
        a_x2 = a_x2 + oho * jnp.sum(oh * x2, keepdims=True)
        a_y2 = a_y2 + oho * jnp.sum(oh * y2, keepdims=True)
        a_l = a_l + oho * jnp.sum(oh * lab, keepdims=True)
        vals = jnp.where(iota_l == idx, -jnp.inf, vals)
        return vals, a_s, a_x1, a_y1, a_x2, a_y2, a_l

    st = (vals, zero_o, zero_o, zero_o, zero_o, zero_o, zero_o)
    st = jax.lax.fori_loop(0, _DETS, sel_body, st)
    _, a_s, a_x1, a_y1, a_x2, a_y2, a_l = st
    osc_ref[...] = a_s
    ox1_ref[...] = a_x1
    oy1_ref[...] = a_y1
    ox2_ref[...] = a_x2
    oy2_ref[...] = a_y2
    olab_ref[...] = a_l


def _select_kernel(score_ref, t_ref, c_ref):
    s = score_ref[...]
    lane = jax.lax.broadcasted_iota(jnp.int32, s.shape, 1)
    row = jax.lax.broadcasted_iota(jnp.int32, s.shape, 0)
    lane_ok = (lane >= 1) & (lane < _NC)
    kbits = jax.lax.bitcast_convert_type(s, jnp.int32)
    int_min = jnp.int32(-2147483648)
    keys = jnp.where(lane_ok, kbits, int_min)
    fidx = jnp.where(lane_ok, row * (_NC - 1) + (lane - 1),
                     jnp.int32(2 ** 30))

    def bs1(_, st):
        lo, hi = st
        mid = (lo >> 1) + (hi >> 1) + (lo & hi & 1)
        cnt = jnp.sum((keys > mid).astype(jnp.int32))
        below = cnt < _TOPK
        return jnp.where(below, lo, mid + 1), jnp.where(below, mid, hi)

    lo, hi = jax.lax.fori_loop(
        0, 32, bs1, (int_min, jnp.int32(2147483647)))
    t = lo
    c_gt = jnp.sum((keys > t).astype(jnp.int32))
    m = _TOPK - c_gt
    tie = keys == t

    def bs2(_, st):
        lo, hi = st
        mid = (lo + hi) >> 1
        cnt = jnp.sum((tie & (fidx <= mid)).astype(jnp.int32))
        enough = cnt >= m
        return jnp.where(enough, lo, mid + 1), jnp.where(enough, mid, hi)

    lo2, _ = jax.lax.fori_loop(
        0, 19, bs2, (jnp.int32(0), jnp.int32(_N * (_NC - 1) - 1)))
    t_ref[...] = jnp.reshape(t, (1, 1))
    c_ref[...] = jnp.reshape(lo2, (1, 1))


def kernel(class_logits, box_regression, proposals):
    f32 = jnp.float32
    pad_c = _LANES - _NC
    logits_p = jnp.pad(class_logits, ((0, 0), (0, pad_c)),
                       constant_values=-1e30)
    rel = box_regression.reshape(_N, _NC, 4)
    dx = jnp.pad(rel[..., 0], ((0, 0), (0, pad_c)))
    dy = jnp.pad(rel[..., 1], ((0, 0), (0, pad_c)))
    dw = jnp.pad(rel[..., 2], ((0, 0), (0, pad_c)))
    dh = jnp.pad(rel[..., 3], ((0, 0), (0, pad_c)))
    px1 = proposals[:, 0:1]
    py1 = proposals[:, 1:2]
    px2 = proposals[:, 2:3]
    py2 = proposals[:, 3:4]

    n_blk = _N // _ROWS_BLK
    row_spec = pl.BlockSpec((_ROWS_BLK, _LANES), lambda i: (i, 0))
    col1_spec = pl.BlockSpec((_ROWS_BLK, 1), lambda i: (i, 0))
    big = jax.ShapeDtypeStruct((_N, _LANES), f32)
    score, bx1, by1, bx2, by2 = pl.pallas_call(
        _decode_kernel,
        grid=(n_blk,),
        in_specs=[row_spec] * 5 + [col1_spec] * 4,
        out_specs=[row_spec] * 5,
        out_shape=[big] * 5,
    )(logits_p, dx, dy, dw, dh, px1, py1, px2, py2)

    scores_flat = score[:, 1:_NC].reshape(-1)
    x1f = bx1[:, 1:_NC].reshape(-1)
    y1f = by1[:, 1:_NC].reshape(-1)
    x2f = bx2[:, 1:_NC].reshape(-1)
    y2f = by2[:, 1:_NC].reshape(-1)

    t_arr, c_arr = pl.pallas_call(
        _select_kernel,
        out_shape=[jax.ShapeDtypeStruct((1, 1), jnp.int32)] * 2,
    )(score)
    t_key = t_arr[0, 0]
    c_cut = c_arr[0, 0]
    keys_flat = jax.lax.bitcast_convert_type(scores_flat, jnp.int32)
    pred = (keys_flat > t_key) | (
        (keys_flat == t_key)
        & (jnp.arange(keys_flat.shape[0], dtype=jnp.int32) <= c_cut))
    cidx = jnp.nonzero(pred, size=_TOPK, fill_value=0)[0].astype(jnp.int32)
    top_scores, pos = jax.lax.top_k(scores_flat[cidx], _TOPK)
    top_idx = cidx[pos]
    tlab = (top_idx % (_NC - 1) + 1).astype(f32)
    tx1 = x1f[top_idx]
    ty1 = y1f[top_idx]
    tx2 = x2f[top_idx]
    ty2 = y2f[top_idx]

    npad = _PAD - _TOPK
    def cpad(v, cval=0.0):
        return jnp.pad(v, (0, npad), constant_values=cval).reshape(1, _PAD)
    sco_c = cpad(top_scores, -1.0)
    x1c, y1c, x2c, y2c = cpad(tx1), cpad(ty1), cpad(tx2), cpad(ty2)
    lab_c = cpad(tlab)
    x1r, y1r = x1c.reshape(_PAD, 1), y1c.reshape(_PAD, 1)
    x2r, y2r = x2c.reshape(_PAD, 1), y2c.reshape(_PAD, 1)
    lab_r = lab_c.reshape(_PAD, 1)

    rblk = pl.BlockSpec((_S_BLK, 1), lambda i: (i, 0))
    cblk = pl.BlockSpec((1, _PAD), lambda i: (0, 0))
    s_mat = pl.pallas_call(
        _smat_kernel,
        grid=(_PAD // _S_BLK,),
        in_specs=[rblk] * 5 + [cblk] * 5,
        out_specs=pl.BlockSpec((_S_BLK, _PAD), lambda i: (i, 0)),
        out_shape=jax.ShapeDtypeStruct((_PAD, _PAD), f32),
    )(x1r, y1r, x2r, y2r, lab_r, x1c, y1c, x2c, y2c, lab_c)

    out_small = jax.ShapeDtypeStruct((1, _LANES), f32)
    osc, ox1, oy1, ox2, oy2, olab = pl.pallas_call(
        _nms_kernel,
        out_shape=[out_small] * 6,
    )(s_mat, sco_c, x1c, y1c, x2c, y2c, lab_c)

    final_scores = osc[0, :_DETS]
    final_boxes = jnp.stack(
        [ox1[0, :_DETS], oy1[0, :_DETS], ox2[0, :_DETS], oy2[0, :_DETS]],
        axis=-1)
    final_labels = olab[0, :_DETS].astype(jnp.int32)
    return final_boxes, final_scores, final_labels

# --- scband reference (transcript-rebuilt; emitter-appended) ---
"""Pipeline reference for scband-ro-iheads-4260607557842 (READ-ONLY COPY).

The authoritative reference and input builder live on the scoring server;
editing this copy changes nothing except your own understanding.
"""

import jax, jax.numpy as jnp
import numpy as np

N = 5000
NUM_CLASSES = 91
IMG_H, IMG_W = 800.0, 800.0
SCORE_THRESH = 0.05
NMS_THRESH = 0.5
DETECTIONS_PER_IMG = 100
PRE_NMS_TOPK = 1000
WEIGHTS = (10.0, 10.0, 5.0, 5.0)
BBOX_XFORM_CLIP = float(np.log(1000.0 / 16.0))


def setup_inputs(seed: int = 0) -> dict:
    key = jax.random.key(seed)
    k1, k2, k3, k4, k5 = jax.random.split(key, 5)
    cx = jax.random.uniform(k1, (N,)) * IMG_W
    cy = jax.random.uniform(k2, (N,)) * IMG_H
    w = jax.random.uniform(k3, (N,)) * 180.0 + 16.0
    h = jax.random.uniform(k4, (N,)) * 180.0 + 16.0
    proposals = jnp.stack([
        jnp.clip(cx - 0.5 * w, 0.0, IMG_W),
        jnp.clip(cy - 0.5 * h, 0.0, IMG_H),
        jnp.clip(cx + 0.5 * w, 0.0, IMG_W),
        jnp.clip(cy + 0.5 * h, 0.0, IMG_H),
    ], axis=1).astype(jnp.float32)
    k6, k7 = jax.random.split(k5)
    class_logits = (jax.random.normal(k6, (N, NUM_CLASSES)) * 2.0).astype(jnp.float32)
    box_regression = (jax.random.normal(k7, (N, NUM_CLASSES * 4)) * 0.5).astype(jnp.float32)
    return {"class_logits": class_logits, "box_regression": box_regression, "proposals": proposals}


def _decode(box_regression, proposals):
    wx, wy, ww, wh = WEIGHTS
    widths = proposals[:, 2] - proposals[:, 0]
    heights = proposals[:, 3] - proposals[:, 1]
    ctr_x = proposals[:, 0] + 0.5 * widths
    ctr_y = proposals[:, 1] + 0.5 * heights
    rel = box_regression.reshape(proposals.shape[0], -1, 4)
    dx = rel[..., 0] / wx
    dy = rel[..., 1] / wy
    dw = jnp.minimum(rel[..., 2] / ww, BBOX_XFORM_CLIP)
    dh = jnp.minimum(rel[..., 3] / wh, BBOX_XFORM_CLIP)
    pred_ctr_x = dx * widths[:, None] + ctr_x[:, None]
    pred_ctr_y = dy * heights[:, None] + ctr_y[:, None]
    pred_w = jnp.exp(dw) * widths[:, None]
    pred_h = jnp.exp(dh) * heights[:, None]
    boxes = jnp.stack([
        pred_ctr_x - 0.5 * pred_w,
        pred_ctr_y - 0.5 * pred_h,
        pred_ctr_x + 0.5 * pred_w,
        pred_ctr_y + 0.5 * pred_h,
    ], axis=-1)
    return boxes


def _postprocess(class_logits, box_regression, proposals):
    boxes = _decode(box_regression, proposals)
    scores = jax.nn.softmax(class_logits, axis=-1)
    x1 = jnp.clip(boxes[..., 0], 0.0, IMG_W)
    y1 = jnp.clip(boxes[..., 1], 0.0, IMG_H)
    x2 = jnp.clip(boxes[..., 2], 0.0, IMG_W)
    y2 = jnp.clip(boxes[..., 3], 0.0, IMG_H)
    boxes = jnp.stack([x1, y1, x2, y2], axis=-1)
    # drop background class (index 0)
    boxes = boxes[:, 1:, :].reshape(-1, 4)
    scores = scores[:, 1:].reshape(-1)
    labels = jnp.broadcast_to(jnp.arange(1, NUM_CLASSES)[None, :], (class_logits.shape[0], NUM_CLASSES - 1)).reshape(-1)
    ws = boxes[:, 2] - boxes[:, 0]
    hs = boxes[:, 3] - boxes[:, 1]
    valid = (scores > SCORE_THRESH) & (ws >= 0.01) & (hs >= 0.01)
    scores_masked = jnp.where(valid, scores, -1.0)
    top_scores, top_idx = jax.lax.top_k(scores_masked, PRE_NMS_TOPK)
    top_boxes = boxes[top_idx]
    top_labels = labels[top_idx]
    top_valid = valid[top_idx]
    # batched NMS via per-class coordinate offsets
    offset_scale = jax.lax.stop_gradient(jnp.max(top_boxes)) + 1.0
    nms_boxes = jax.lax.stop_gradient(top_boxes + (top_labels.astype(top_boxes.dtype) * offset_scale)[:, None])
    areas = (nms_boxes[:, 2] - nms_boxes[:, 0]) * (nms_boxes[:, 3] - nms_boxes[:, 1])
    lt = jnp.maximum(nms_boxes[:, None, :2], nms_boxes[None, :, :2])
    rb = jnp.minimum(nms_boxes[:, None, 2:], nms_boxes[None, :, 2:])
    whd = jnp.maximum(rb - lt, 0.0)
    inter = whd[..., 0] * whd[..., 1]
    iou = inter / (areas[:, None] + areas[None, :] - inter + 1e-9)
    idxs = jnp.arange(PRE_NMS_TOPK)

    def body(i, keep):
        sup = jnp.any((iou[i] > NMS_THRESH) & (idxs < i) & keep)
        return keep.at[i].set(jnp.logical_and(jnp.logical_not(sup), top_valid[i]))

    keep = jax.lax.fori_loop(0, PRE_NMS_TOPK, body, jnp.zeros((PRE_NMS_TOPK,), dtype=bool))
    keep = jax.lax.stop_gradient(keep)
    final_scores, sel = jax.lax.top_k(jnp.where(keep, top_scores, -1.0), DETECTIONS_PER_IMG)
    final_boxes = top_boxes[sel]
    final_labels = top_labels[sel]
    return final_boxes, final_scores, final_labels


def reference(class_logits, box_regression, proposals):
    return _postprocess(class_logits, box_regression, proposals)

if __name__ == "__main__":
    import jax
    _d = setup_inputs()
    print(jax.jit(kernel)(*tuple(_d.values())))

</pallas_src>

<mosaic_0001>
module attributes {stable_mosaic.version = 14 : i64} {
  func.func @_decode_kernel(%arg0: i32, %arg1: memref<1000x128xf32, #tpu.memory_space<vmem>>, %arg2: memref<1000x128xf32, #tpu.memory_space<vmem>>, %arg3: memref<1000x128xf32, #tpu.memory_space<vmem>>, %arg4: memref<1000x128xf32, #tpu.memory_space<vmem>>, %arg5: memref<1000x128xf32, #tpu.memory_space<vmem>>, %arg6: memref<1000x1xf32, #tpu.memory_space<vmem>>, %arg7: memref<1000x1xf32, #tpu.memory_space<vmem>>, %arg8: memref<1000x1xf32, #tpu.memory_space<vmem>>, %arg9: memref<1000x1xf32, #tpu.memory_space<vmem>>, %arg10: memref<1000x128xf32, #tpu.memory_space<vmem>>, %arg11: memref<1000x128xf32, #tpu.memory_space<vmem>>, %arg12: memref<1000x128xf32, #tpu.memory_space<vmem>>, %arg13: memref<1000x128xf32, #tpu.memory_space<vmem>>, %arg14: memref<1000x128xf32, #tpu.memory_space<vmem>>) attributes {dimension_semantics = [#tpu.dimension_semantics<arbitrary>], iteration_bounds = array<i64: 5>, scalar_prefetch = 0 : i64, scratch_operands = 0 : i64, tpu.core_type = #tpu.core_type<tc>, window_params = [{transform_indices = @transform_0, window_bounds = array<i64: 1000, 128>}, {transform_indices = @transform_1, window_bounds = array<i64: 1000, 128>}, {transform_indices = @transform_2, window_bounds = array<i64: 1000, 128>}, {transform_indices = @transform_3, window_bounds = array<i64: 1000, 128>}, {transform_indices = @transform_4, window_bounds = array<i64: 1000, 128>}, {transform_indices = @transform_5, window_bounds = array<i64: 1000, 1>}, {transform_indices = @transform_6, window_bounds = array<i64: 1000, 1>}, {transform_indices = @transform_7, window_bounds = array<i64: 1000, 1>}, {transform_indices = @transform_8, window_bounds = array<i64: 1000, 1>}, {transform_indices = @transform_9, window_bounds = array<i64: 1000, 128>}, {transform_indices = @transform_10, window_bounds = array<i64: 1000, 128>}, {transform_indices = @transform_11, window_bounds = array<i64: 1000, 128>}, {transform_indices = @transform_12, window_bounds = array<i64: 1000, 128>}, {transform_indices = @transform_13, window_bounds = array<i64: 1000, 128>}]} {
    %get3A = arith.constant 0 : index
    %get3A_0 = arith.constant 0 : index
    %get3A_1 = vector.load %arg1[%get3A, %get3A_0] : memref<1000x128xf32, #tpu.memory_space<vmem>>, vector<1000x128xf32>
    %reduce_max3A = arith.constant dense<0xFF800000> : vector<1000xf32>
    %reduce_max3A_2 = vector.multi_reduction <maximumf>, %get3A_1, %reduce_max3A [1] : vector<1000x128xf32> to vector<1000xf32>
    %broadcast_in_dim3A = vector.shape_cast %reduce_max3A_2 : vector<1000xf32> to vector<1000x1xf32>
    %sub3A = vector.broadcast %broadcast_in_dim3A : vector<1000x1xf32> to vector<1000x128xf32>
    %sub3A_3 = arith.subf %get3A_1, %sub3A : vector<1000x128xf32>
    %exp3A = math.exp %sub3A_3 : vector<1000x128xf32>
    %reduce_sum3A = arith.constant dense<0.000000e+00> : vector<1000xf32>
    %reduce_sum3A_4 = vector.multi_reduction <add>, %exp3A, %reduce_sum3A [1] : vector<1000x128xf32> to vector<1000xf32>
    %broadcast_in_dim3A_5 = vector.shape_cast %reduce_sum3A_4 : vector<1000xf32> to vector<1000x1xf32>
    %div3A = vector.broadcast %broadcast_in_dim3A_5 : vector<1000x1xf32> to vector<1000x128xf32>
    %div3A_6 = arith.divf %exp3A, %div3A : vector<1000x128xf32>
    %get3A_7 = arith.constant 0 : index
    %get3A_8 = arith.constant 0 : index
    %get3A_9 = vector.load %arg8[%get3A_7, %get3A_8] : memref<1000x1xf32, #tpu.memory_space<vmem>>, vector<1000x1xf32>
    %get3A_10 = arith.constant 0 : index
    %get3A_11 = arith.constant 0 : index
    %get3A_12 = vector.load %arg6[%get3A_10, %get3A_11] : memref<1000x1xf32, #tpu.memory_space<vmem>>, vector<1000x1xf32>
    %sub3A_13 = arith.subf %get3A_9, %get3A_12 : vector<1000x1xf32>
    %get3A_14 = arith.constant 0 : index
    %get3A_15 = arith.constant 0 : index
    %get3A_16 = vector.load %arg9[%get3A_14, %get3A_15] : memref<1000x1xf32, #tpu.memory_space<vmem>>, vector<1000x1xf32>
    %get3A_17 = arith.constant 0 : index
    %get3A_18 = arith.constant 0 : index
    %get3A_19 = vector.load %arg7[%get3A_17, %get3A_18] : memref<1000x1xf32, #tpu.memory_space<vmem>>, vector<1000x1xf32>
    %sub3A_20 = arith.subf %get3A_16, %get3A_19 : vector<1000x1xf32>
    %get3A_21 = arith.constant 0 : index
    %get3A_22 = arith.constant 0 : index
    %get3A_23 = vector.load %arg6[%get3A_21, %get3A_22] : memref<1000x1xf32, #tpu.memory_space<vmem>>, vector<1000x1xf32>
    %mul3A = arith.constant 5.000000e-01 : f32
    %mul3A_24 = vector.broadcast %mul3A : f32 to vector<1000x1xf32>
    %mul3A_25 = arith.mulf %mul3A_24, %sub3A_13 : vector<1000x1xf32>
    %add3A = arith.addf %get3A_23, %mul3A_25 : vector<1000x1xf32>
    %get3A_26 = arith.constant 0 : index
    %get3A_27 = arith.constant 0 : index
    %get3A_28 = vector.load %arg7[%get3A_26, %get3A_27] : memref<1000x1xf32, #tpu.memory_space<vmem>>, vector<1000x1xf32>
    %mul3A_29 = arith.constant 5.000000e-01 : f32
    %mul3A_30 = vector.broadcast %mul3A_29 : f32 to vector<1000x1xf32>
    %mul3A_31 = arith.mulf %mul3A_30, %sub3A_20 : vector<1000x1xf32>
    %add3A_32 = arith.addf %get3A_28, %mul3A_31 : vector<1000x1xf32>
    %get3A_33 = arith.constant 0 : index
    %get3A_34 = arith.constant 0 : index
    %get3A_35 = vector.load %arg2[%get3A_33, %get3A_34] : memref<1000x128xf32, #tpu.memory_space<vmem>>, vector<1000x128xf32>
    %div3A_36 = arith.constant 1.000000e+01 : f32
    %div3A_37 = vector.broadcast %div3A_36 : f32 to vector<1000x128xf32>
    %div3A_38 = arith.divf %get3A_35, %div3A_37 : vector<1000x128xf32>
    %get3A_39 = arith.constant 0 : index
    %get3A_40 = arith.constant 0 : index
    %get3A_41 = vector.load %arg3[%get3A_39, %get3A_40] : memref<1000x128xf32, #tpu.memory_space<vmem>>, vector<1000x128xf32>
    %div3A_42 = arith.constant 1.000000e+01 : f32
    %div3A_43 = vector.broadcast %div3A_42 : f32 to vector<1000x128xf32>
    %div3A_44 = arith.divf %get3A_41, %div3A_43 : vector<1000x128xf32>
    %get3A_45 = arith.constant 0 : index
    %get3A_46 = arith.constant 0 : index
    %get3A_47 = vector.load %arg4[%get3A_45, %get3A_46] : memref<1000x128xf32, #tpu.memory_space<vmem>>, vector<1000x128xf32>
    %div3A_48 = arith.constant 5.000000e+00 : f32
    %div3A_49 = vector.broadcast %div3A_48 : f32 to vector<1000x128xf32>
    %div3A_50 = arith.divf %get3A_47, %div3A_49 : vector<1000x128xf32>
    %min3A = arith.constant 4.13516665 : f32
    %min3A_51 = vector.broadcast %min3A : f32 to vector<1000x128xf32>
    %min3A_52 = arith.minimumf %div3A_50, %min3A_51 : vector<1000x128xf32>
    %get3A_53 = arith.constant 0 : index
    %get3A_54 = arith.constant 0 : index
    %get3A_55 = vector.load %arg5[%get3A_53, %get3A_54] : memref<1000x128xf32, #tpu.memory_space<vmem>>, vector<1000x128xf32>
    %div3A_56 = arith.constant 5.000000e+00 : f32
    %div3A_57 = vector.broadcast %div3A_56 : f32 to vector<1000x128xf32>
    %div3A_58 = arith.divf %get3A_55, %div3A_57 : vector<1000x128xf32>
    %min3A_59 = arith.constant 4.13516665 : f32
    %min3A_60 = vector.broadcast %min3A_59 : f32 to vector<1000x128xf32>
    %min3A_61 = arith.minimumf %div3A_58, %min3A_60 : vector<1000x128xf32>
    %mul3A_62 = vector.broadcast %sub3A_13 : vector<1000x1xf32> to vector<1000x128xf32>
    %mul3A_63 = arith.mulf %div3A_38, %mul3A_62 : vector<1000x128xf32>
    %add3A_64 = vector.broadcast %add3A : vector<1000x1xf32> to vector<1000x128xf32>
    %add3A_65 = arith.addf %mul3A_63, %add3A_64 : vector<1000x128xf32>
    %mul3A_66 = vector.broadcast %sub3A_20 : vector<1000x1xf32> to vector<1000x128xf32>
    %mul3A_67 = arith.mulf %div3A_44, %mul3A_66 : vector<1000x128xf32>
    %add3A_68 = vector.broadcast %add3A_32 : vector<1000x1xf32> to vector<1000x128xf32>
    %add3A_69 = arith.addf %mul3A_67, %add3A_68 : vector<1000x128xf32>
    %exp3A_70 = math.exp %min3A_52 : vector<1000x128xf32>
    %mul3A_71 = vector.broadcast %sub3A_13 : vector<1000x1xf32> to vector<1000x128xf32>
    %mul3A_72 = arith.mulf %exp3A_70, %mul3A_71 : vector<1000x128xf32>
    %exp3A_73 = math.exp %min3A_61 : vector<1000x128xf32>
    %mul3A_74 = vector.broadcast %sub3A_20 : vector<1000x1xf32> to vector<1000x128xf32>
    %mul3A_75 = arith.mulf %exp3A_73, %mul3A_74 : vector<1000x128xf32>
    %mul3A_76 = arith.constant 5.000000e-01 : f32
    %mul3A_77 = vector.broadcast %mul3A_76 : f32 to vector<1000x128xf32>
    %mul3A_78 = arith.mulf %mul3A_77, %mul3A_72 : vector<1000x128xf32>
    %sub3A_79 = arith.subf %add3A_65, %mul3A_78 : vector<1000x128xf32>
    %jit3A = arith.constant 0.000000e+00 : f32
    %jit3A_80 = arith.constant 8.000000e+02 : f32
    %max3A = vector.broadcast %jit3A : f32 to vector<1000x128xf32>
    %max3A_81 = arith.maximumf %max3A, %sub3A_79 : vector<1000x128xf32>
    %min3A_82 = vector.broadcast %jit3A_80 : f32 to vector<1000x128xf32>
    %min3A_83 = arith.minimumf %min3A_82, %max3A_81 : vector<1000x128xf32>
    %mul3A_84 = arith.constant 5.000000e-01 : f32
    %mul3A_85 = vector.broadcast %mul3A_84 : f32 to vector<1000x128xf32>
    %mul3A_86 = arith.mulf %mul3A_85, %mul3A_75 : vector<1000x128xf32>
    %sub3A_87 = arith.subf %add3A_69, %mul3A_86 : vector<1000x128xf32>
    %jit3A_88 = arith.constant 0.000000e+00 : f32
    %jit3A_89 = arith.constant 8.000000e+02 : f32
    %max3A_90 = vector.broadcast %jit3A_88 : f32 to vector<1000x128xf32>
    %max3A_91 = arith.maximumf %max3A_90, %sub3A_87 : vector<1000x128xf32>
    %min3A_92 = vector.broadcast %jit3A_89 : f32 to vector<1000x128xf32>
    %min3A_93 = arith.minimumf %min3A_92, %max3A_91 : vector<1000x128xf32>
    %mul3A_94 = arith.constant 5.000000e-01 : f32
    %mul3A_95 = vector.broadcast %mul3A_94 : f32 to vector<1000x128xf32>
    %mul3A_96 = arith.mulf %mul3A_95, %mul3A_72 : vector<1000x128xf32>
    %add3A_97 = arith.addf %add3A_65, %mul3A_96 : vector<1000x128xf32>
    %jit3A_98 = arith.constant 0.000000e+00 : f32
    %jit3A_99 = arith.constant 8.000000e+02 : f32
    %max3A_100 = vector.broadcast %jit3A_98 : f32 to vector<1000x128xf32>
    %max3A_101 = arith.maximumf %max3A_100, %add3A_97 : vector<1000x128xf32>
    %min3A_102 = vector.broadcast %jit3A_99 : f32 to vector<1000x128xf32>
    %min3A_103 = arith.minimumf %min3A_102, %max3A_101 : vector<1000x128xf32>
    %mul3A_104 = arith.constant 5.000000e-01 : f32
    %mul3A_105 = vector.broadcast %mul3A_104 : f32 to vector<1000x128xf32>
    %mul3A_106 = arith.mulf %mul3A_105, %mul3A_75 : vector<1000x128xf32>
    %add3A_107 = arith.addf %add3A_69, %mul3A_106 : vector<1000x128xf32>
    %jit3A_108 = arith.constant 0.000000e+00 : f32
    %jit3A_109 = arith.constant 8.000000e+02 : f32
    %max3A_110 = vector.broadcast %jit3A_108 : f32 to vector<1000x128xf32>
    %max3A_111 = arith.maximumf %max3A_110, %add3A_107 : vector<1000x128xf32>
    %min3A_112 = vector.broadcast %jit3A_109 : f32 to vector<1000x128xf32>
    %min3A_113 = arith.minimumf %min3A_112, %max3A_111 : vector<1000x128xf32>
    %gt3A = arith.constant 5.000000e-02 : f32
    %gt3A_114 = vector.broadcast %gt3A : f32 to vector<1000x128xf32>
    %gt3A_115 = arith.cmpf ogt, %div3A_6, %gt3A_114 : vector<1000x128xf32>
    %sub3A_116 = arith.subf %min3A_103, %min3A_83 : vector<1000x128xf32>
    %ge3A = arith.constant 0.00999999977 : f32
    %ge3A_117 = vector.broadcast %ge3A : f32 to vector<1000x128xf32>
    %ge3A_118 = arith.cmpf oge, %sub3A_116, %ge3A_117 : vector<1000x128xf32>
    %and3A = arith.andi %gt3A_115, %ge3A_118 : vector<1000x128xi1>
    %sub3A_119 = arith.subf %min3A_113, %min3A_93 : vector<1000x128xf32>
    %ge3A_120 = arith.constant 0.00999999977 : f32
    %ge3A_121 = vector.broadcast %ge3A_120 : f32 to vector<1000x128xf32>
    %ge3A_122 = arith.cmpf oge, %sub3A_119, %ge3A_121 : vector<1000x128xf32>
    %and3A_123 = arith.andi %and3A, %ge3A_122 : vector<1000x128xi1>
    %jit3A_124 = arith.constant -1.000000e+00 : f32
    %broadcast_in_dim3A_125 = vector.broadcast %jit3A_124 : f32 to vector<1000x128xf32>
    %select_n3A = arith.select %and3A_123, %div3A_6, %broadcast_in_dim3A_125 : vector<1000x128xi1>, vector<1000x128xf32>
    %swap3A = arith.constant 0 : index
    %swap3A_126 = arith.constant 0 : index
    %swap3A_127 = vector.load %arg10[%swap3A, %swap3A_126] : memref<1000x128xf32, #tpu.memory_space<vmem>>, vector<1000x128xf32>
    tpu.vector_store %arg10[%swap3A, %swap3A_126], %select_n3A {strides = array<i32>} : memref<1000x128xf32, #tpu.memory_space<vmem>>, vector<1000x128xf32>,
    %swap3A_128 = arith.constant 0 : index
    %swap3A_129 = arith.constant 0 : index
    %swap3A_130 = vector.load %arg11[%swap3A_128, %swap3A_129] : memref<1000x128xf32, #tpu.memory_space<vmem>>, vector<1000x128xf32>
    tpu.vector_store %arg11[%swap3A_128, %swap3A_129], %min3A_83 {strides = array<i32>} : memref<1000x128xf32, #tpu.memory_space<vmem>>, vector<1000x128xf32>,
    %swap3A_131 = arith.constant 0 : index
    %swap3A_132 = arith.constant 0 : index
    %swap3A_133 = vector.load %arg12[%swap3A_131, %swap3A_132] : memref<1000x128xf32, #tpu.memory_space<vmem>>, vector<1000x128xf32>
    tpu.vector_store %arg12[%swap3A_131, %swap3A_132], %min3A_93 {strides = array<i32>} : memref<1000x128xf32, #tpu.memory_space<vmem>>, vector<1000x128xf32>,
    %swap3A_134 = arith.constant 0 : index
    %swap3A_135 = arith.constant 0 : index
    %swap3A_136 = vector.load %arg13[%swap3A_134, %swap3A_135] : memref<1000x128xf32, #tpu.memory_space<vmem>>, vector<1000x128xf32>
    tpu.vector_store %arg13[%swap3A_134, %swap3A_135], %min3A_103 {strides = array<i32>} : memref<1000x128xf32, #tpu.memory_space<vmem>>, vector<1000x128xf32>,
    %swap3A_137 = arith.constant 0 : index
    %swap3A_138 = arith.constant 0 : index
    %swap3A_139 = vector.load %arg14[%swap3A_137, %swap3A_138] : memref<1000x128xf32, #tpu.memory_space<vmem>>, vector<1000x128xf32>
    tpu.vector_store %arg14[%swap3A_137, %swap3A_138], %min3A_113 {strides = array<i32>} : memref<1000x128xf32, #tpu.memory_space<vmem>>, vector<1000x128xf32>,
    return
  }
  func.func @transform_0(%arg0: i32) -> (i32, i32) {
    %c0_i32 = arith.constant 0 : i32
    %c0_i32_0 = arith.constant 0 : i32
    return %arg0, %c0_i32 : i32, i32
  }
  func.func @transform_1(%arg0: i32) -> (i32, i32) {
    %c0_i32 = arith.constant 0 : i32
    %c0_i32_0 = arith.constant 0 : i32
    return %arg0, %c0_i32 : i32, i32
  }
  func.func @transform_2(%arg0: i32) -> (i32, i32) {
    %c0_i32 = arith.constant 0 : i32
    %c0_i32_0 = arith.constant 0 : i32
    return %arg0, %c0_i32 : i32, i32
  }
  func.func @transform_3(%arg0: i32) -> (i32, i32) {
    %c0_i32 = arith.constant 0 : i32
    %c0_i32_0 = arith.constant 0 : i32
    return %arg0, %c0_i32 : i32, i32
  }
  func.func @transform_4(%arg0: i32) -> (i32, i32) {
    %c0_i32 = arith.constant 0 : i32
    %c0_i32_0 = arith.constant 0 : i32
    return %arg0, %c0_i32 : i32, i32
  }
  func.func @transform_5(%arg0: i32) -> (i32, i32) {
    %c0_i32 = arith.constant 0 : i32
    %c0_i32_0 = arith.constant 0 : i32
    return %arg0, %c0_i32 : i32, i32
  }
  func.func @transform_6(%arg0: i32) -> (i32, i32) {
    %c0_i32 = arith.constant 0 : i32
    %c0_i32_0 = arith.constant 0 : i32
    return %arg0, %c0_i32 : i32, i32
  }
  func.func @transform_7(%arg0: i32) -> (i32, i32) {
    %c0_i32 = arith.constant 0 : i32
    %c0_i32_0 = arith.constant 0 : i32
    return %arg0, %c0_i32 : i32, i32
  }
  func.func @transform_8(%arg0: i32) -> (i32, i32) {
    %c0_i32 = arith.constant 0 : i32
    %c0_i32_0 = arith.constant 0 : i32
    return %arg0, %c0_i32 : i32, i32
  }
  func.func @transform_9(%arg0: i32) -> (i32, i32) {
    %c0_i32 = arith.constant 0 : i32
    %c0_i32_0 = arith.constant 0 : i32
    return %arg0, %c0_i32 : i32, i32
  }
  func.func @transform_10(%arg0: i32) -> (i32, i32) {
    %c0_i32 = arith.constant 0 : i32
    %c0_i32_0 = arith.constant 0 : i32
    return %arg0, %c0_i32 : i32, i32
  }
  func.func @transform_11(%arg0: i32) -> (i32, i32) {
    %c0_i32 = arith.constant 0 : i32
    %c0_i32_0 = arith.constant 0 : i32
    return %arg0, %c0_i32 : i32, i32
  }
  func.func @transform_12(%arg0: i32) -> (i32, i32) {
    %c0_i32 = arith.constant 0 : i32
    %c0_i32_0 = arith.constant 0 : i32
    return %arg0, %c0_i32 : i32, i32
  }
  func.func @transform_13(%arg0: i32) -> (i32, i32) {
    %c0_i32 = arith.constant 0 : i32
    %c0_i32_0 = arith.constant 0 : i32
    return %arg0, %c0_i32 : i32, i32
  }
}

module attributes {stable_mosaic.version = 14 : i64} {
  func.func @_select_kernel(%arg0: memref<5000x128xf32, #tpu.memory_space<vmem>>, %arg1: memref<1x1xi32, #tpu.memory_space<vmem>>, %arg2: memref<1x1xi32, #tpu.memory_space<vmem>>) attributes {dimension_semantics = [], scalar_prefetch = 0 : i64, scratch_operands = 0 : i64, tpu.core_type = #tpu.core_type<tc>} {
    %get3A = arith.constant 0 : index
    %get3A_0 = arith.constant 0 : index
    %get3A_1 = vector.load %arg0[%get3A, %get3A_0] : memref<5000x128xf32, #tpu.memory_space<vmem>>, vector<5000x128xf32>
    %iota3A = tpu.iota {dimensions = array<i32: 1>} : vector<5000x128xi32>
    %iota3A_2 = tpu.iota {dimensions = array<i32: 0>} : vector<5000x128xi32>
    %ge3A = arith.constant 1 : i32
    %ge3A_3 = vector.broadcast %ge3A : i32 to vector<5000x128xi32>
    %ge3A_4 = arith.cmpi sge, %iota3A, %ge3A_3 : vector<5000x128xi32>
    %lt3A = arith.constant 91 : i32
    %lt3A_5 = vector.broadcast %lt3A : i32 to vector<5000x128xi32>
    %lt3A_6 = arith.cmpi slt, %iota3A, %lt3A_5 : vector<5000x128xi32>
    %and3A = arith.andi %ge3A_4, %lt3A_6 : vector<5000x128xi1>
    %bitcast_convert_type3A = tpu.bitcast %get3A_1 : vector<5000x128xf32> -> vector<5000x128xi32>
    %jit3A = arith.constant -2147483648 : i32
    %broadcast_in_dim3A = vector.broadcast %jit3A : i32 to vector<5000x128xi32>
    %select_n3A = arith.select %and3A, %bitcast_convert_type3A, %broadcast_in_dim3A : vector<5000x128xi1>, vector<5000x128xi32>
    %mul3A = arith.constant 90 : i32
    %mul3A_7 = vector.broadcast %mul3A : i32 to vector<5000x128xi32>
    %mul3A_8 = arith.muli %iota3A_2, %mul3A_7 : vector<5000x128xi32>
    %sub3A = arith.constant 1 : i32
    %sub3A_9 = vector.broadcast %sub3A : i32 to vector<5000x128xi32>
    %sub3A_10 = arith.subi %iota3A, %sub3A_9 : vector<5000x128xi32>
    %add3A = arith.addi %mul3A_8, %sub3A_10 : vector<5000x128xi32>
    %jit3A_11 = arith.constant 1073741824 : i32
    %broadcast_in_dim3A_12 = vector.broadcast %jit3A_11 : i32 to vector<5000x128xi32>
    %select_n3A_13 = arith.select %and3A, %add3A, %broadcast_in_dim3A_12 : vector<5000x128xi1>, vector<5000x128xi32>
    %scan3A = arith.constant -2147483648 : i32
    %scan3A_14 = arith.constant 2147483647 : i32
    %scan3A_15 = arith.constant 0 : i32
    %scan3A_16 = arith.constant 32 : i32
    %scan3A_17 = arith.addi %scan3A_15, %scan3A_16 : i32
    %scan3A_18 = arith.constant 1 : i32
    %scan3A_19:2 = scf.for %scan3A_41 = %scan3A_15 to %scan3A_17 step %scan3A_18 iter_args(%scan3A_42 = %scan3A, %scan3A_43 = %scan3A_14) -> (i32, i32)  : i32 {
      %shift_right_arithmetic3A = arith.constant 1 : i32
      %shift_right_arithmetic3A_44 = arith.shrsi %scan3A_42, %shift_right_arithmetic3A : i32
      %shift_right_arithmetic3A_45 = arith.constant 1 : i32
      %shift_right_arithmetic3A_46 = arith.shrsi %scan3A_43, %shift_right_arithmetic3A_45 : i32
      %add3A_47 = arith.addi %shift_right_arithmetic3A_44, %shift_right_arithmetic3A_46 : i32
      %and3A_48 = arith.andi %scan3A_42, %scan3A_43 : i32
      %and3A_49 = arith.constant 1 : i32
      %and3A_50 = arith.andi %and3A_48, %and3A_49 : i32
      %add3A_51 = arith.addi %add3A_47, %and3A_50 : i32
      %gt3A_52 = vector.broadcast %add3A_51 : i32 to vector<5000x128xi32>
      %gt3A_53 = arith.cmpi sgt, %select_n3A, %gt3A_52 : vector<5000x128xi32>
      %convert_element_type3A_54 = arith.extui %gt3A_53 : vector<5000x128xi1> to vector<5000x128xi32>
      %reduce_sum3A_55 = vector.shape_cast %convert_element_type3A_54 : vector<5000x128xi32> to vector<1x5000x128xi32>
      %reduce_sum3A_56 = arith.constant dense<0> : vector<1xi32>
      %reduce_sum3A_57 = vector.multi_reduction <add>, %reduce_sum3A_55, %reduce_sum3A_56 [1, 2] : vector<1x5000x128xi32> to vector<1xi32>
      %reduce_sum3A_58 = vector.shape_cast %reduce_sum3A_57 : vector<1xi32> to vector<1x1x1xi32>
      %reduce_sum3A_59 = vector.extract %reduce_sum3A_58[0, 0, 0] : i32 from vector<1x1x1xi32>
      %lt3A_60 = arith.constant 1000 : i32
      %lt3A_61 = arith.cmpi slt, %reduce_sum3A_59, %lt3A_60 : i32
      %add3A_62 = arith.constant 1 : i32
      %add3A_63 = arith.addi %add3A_51, %add3A_62 : i32
      %select_n3A_64 = arith.select %lt3A_61, %scan3A_42, %add3A_63 : i32
      %select_n3A_65 = arith.select %lt3A_61, %add3A_51, %scan3A_43 : i32
      scf.yield %select_n3A_64, %select_n3A_65 : i32, i32
    }
    %gt3A = vector.broadcast %scan3A_19#0 : i32 to vector<5000x128xi32>
    %gt3A_20 = arith.cmpi sgt, %select_n3A, %gt3A : vector<5000x128xi32>
    %convert_element_type3A = arith.extui %gt3A_20 : vector<5000x128xi1> to vector<5000x128xi32>
    %reduce_sum3A = vector.shape_cast %convert_element_type3A : vector<5000x128xi32> to vector<1x5000x128xi32>
    %reduce_sum3A_21 = arith.constant dense<0> : vector<1xi32>
    %reduce_sum3A_22 = vector.multi_reduction <add>, %reduce_sum3A, %reduce_sum3A_21 [1, 2] : vector<1x5000x128xi32> to vector<1xi32>
    %reduce_sum3A_23 = vector.shape_cast %reduce_sum3A_22 : vector<1xi32> to vector<1x1x1xi32>
    %reduce_sum3A_24 = vector.extract %reduce_sum3A_23[0, 0, 0] : i32 from vector<1x1x1xi32>
    %sub3A_25 = arith.constant 1000 : i32
    %sub3A_26 = arith.subi %sub3A_25, %reduce_sum3A_24 : i32
    %eq3A = vector.broadcast %scan3A_19#0 : i32 to vector<5000x128xi32>
    %eq3A_27 = arith.cmpi eq, %select_n3A, %eq3A : vector<5000x128xi32>
    %scan3A_28 = arith.constant 0 : i32
    %scan3A_29 = arith.constant 449999 : i32
    %scan3A_30 = arith.constant 0 : i32
    %scan3A_31 = arith.constant 19 : i32
    %scan3A_32 = arith.addi %scan3A_30, %scan3A_31 : i32
    %scan3A_33 = arith.constant 1 : i32
    %scan3A_34:2 = scf.for %scan3A_41 = %scan3A_30 to %scan3A_32 step %scan3A_33 iter_args(%scan3A_42 = %scan3A_28, %scan3A_43 = %scan3A_29) -> (i32, i32)  : i32 {
      %add3A_44 = arith.addi %scan3A_42, %scan3A_43 : i32
      %shift_right_arithmetic3A = arith.constant 1 : i32
      %shift_right_arithmetic3A_45 = arith.shrsi %add3A_44, %shift_right_arithmetic3A : i32
      %le3A = vector.broadcast %shift_right_arithmetic3A_45 : i32 to vector<5000x128xi32>
      %le3A_46 = arith.cmpi sle, %select_n3A_13, %le3A : vector<5000x128xi32>
      %and3A_47 = arith.andi %eq3A_27, %le3A_46 : vector<5000x128xi1>
      %convert_element_type3A_48 = arith.extui %and3A_47 : vector<5000x128xi1> to vector<5000x128xi32>
      %reduce_sum3A_49 = vector.shape_cast %convert_element_type3A_48 : vector<5000x128xi32> to vector<1x5000x128xi32>
      %reduce_sum3A_50 = arith.constant dense<0> : vector<1xi32>
      %reduce_sum3A_51 = vector.multi_reduction <add>, %reduce_sum3A_49, %reduce_sum3A_50 [1, 2] : vector<1x5000x128xi32> to vector<1xi32>
      %reduce_sum3A_52 = vector.shape_cast %reduce_sum3A_51 : vector<1xi32> to vector<1x1x1xi32>
      %reduce_sum3A_53 = vector.extract %reduce_sum3A_52[0, 0, 0] : i32 from vector<1x1x1xi32>
      %ge3A_54 = arith.cmpi sge, %reduce_sum3A_53, %sub3A_26 : i32
      %add3A_55 = arith.constant 1 : i32
      %add3A_56 = arith.addi %shift_right_arithmetic3A_45, %add3A_55 : i32
      %select_n3A_57 = arith.select %ge3A_54, %scan3A_42, %add3A_56 : i32
      %select_n3A_58 = arith.select %ge3A_54, %shift_right_arithmetic3A_45, %scan3A_43 : i32
      scf.yield %select_n3A_57, %select_n3A_58 : i32, i32
    }
    %reshape3A = vector.broadcast %scan3A_19#0 : i32 to vector<1x1xi32>
    %swap3A = arith.constant 0 : index
    %swap3A_35 = arith.constant 0 : index
    %swap3A_36 = vector.load %arg1[%swap3A, %swap3A_35] : memref<1x1xi32, #tpu.memory_space<vmem>>, vector<1x1xi32>
    tpu.vector_store %arg1[%swap3A, %swap3A_35], %reshape3A {strides = array<i32>} : memref<1x1xi32, #tpu.memory_space<vmem>>, vector<1x1xi32>,
    %reshape3A_37 = vector.broadcast %scan3A_34#0 : i32 to vector<1x1xi32>
    %swap3A_38 = arith.constant 0 : index
    %swap3A_39 = arith.constant 0 : index
    %swap3A_40 = vector.load %arg2[%swap3A_38, %swap3A_39] : memref<1x1xi32, #tpu.memory_space<vmem>>, vector<1x1xi32>
    tpu.vector_store %arg2[%swap3A_38, %swap3A_39], %reshape3A_37 {strides = array<i32>} : memref<1x1xi32, #tpu.memory_space<vmem>>, vector<1x1xi32>,
    return
  }
}

module attributes {stable_mosaic.version = 14 : i64} {
  func.func @_smat_kernel(%arg0: i32, %arg1: memref<128x1xf32, #tpu.memory_space<vmem>>, %arg2: memref<128x1xf32, #tpu.memory_space<vmem>>, %arg3: memref<128x1xf32, #tpu.memory_space<vmem>>, %arg4: memref<128x1xf32, #tpu.memory_space<vmem>>, %arg5: memref<128x1xf32, #tpu.memory_space<vmem>>, %arg6: memref<1x1024xf32, #tpu.memory_space<vmem>>, %arg7: memref<1x1024xf32, #tpu.memory_space<vmem>>, %arg8: memref<1x1024xf32, #tpu.memory_space<vmem>>, %arg9: memref<1x1024xf32, #tpu.memory_space<vmem>>, %arg10: memref<1x1024xf32, #tpu.memory_space<vmem>>, %arg11: memref<128x1024xf32, #tpu.memory_space<vmem>>) attributes {dimension_semantics = [#tpu.dimension_semantics<arbitrary>], iteration_bounds = array<i64: 8>, scalar_prefetch = 0 : i64, scratch_operands = 0 : i64, tpu.core_type = #tpu.core_type<tc>, window_params = [{transform_indices = @transform_0, window_bounds = array<i64: 128, 1>}, {transform_indices = @transform_1, window_bounds = array<i64: 128, 1>}, {transform_indices = @transform_2, window_bounds = array<i64: 128, 1>}, {transform_indices = @transform_3, window_bounds = array<i64: 128, 1>}, {transform_indices = @transform_4, window_bounds = array<i64: 128, 1>}, {pipeline_mode = #tpu.pipeline_mode<synchronous>, transform_indices = @transform_5, window_bounds = array<i64: 1, 1024>}, {pipeline_mode = #tpu.pipeline_mode<synchronous>, transform_indices = @transform_6, window_bounds = array<i64: 1, 1024>}, {pipeline_mode = #tpu.pipeline_mode<synchronous>, transform_indices = @transform_7, window_bounds = array<i64: 1, 1024>}, {pipeline_mode = #tpu.pipeline_mode<synchronous>, transform_indices = @transform_8, window_bounds = array<i64: 1, 1024>}, {pipeline_mode = #tpu.pipeline_mode<synchronous>, transform_indices = @transform_9, window_bounds = array<i64: 1, 1024>}, {transform_indices = @transform_10, window_bounds = array<i64: 128, 1024>}]} {
    %get3A = arith.constant 0 : index
    %get3A_0 = arith.constant 0 : index
    %get3A_1 = vector.load %arg6[%get3A, %get3A_0] : memref<1x1024xf32, #tpu.memory_space<vmem>>, vector<1x1024xf32>
    %get3A_2 = arith.constant 0 : index
    %get3A_3 = arith.constant 0 : index
    %get3A_4 = vector.load %arg7[%get3A_2, %get3A_3] : memref<1x1024xf32, #tpu.memory_space<vmem>>, vector<1x1024xf32>
    %get3A_5 = arith.constant 0 : index
    %get3A_6 = arith.constant 0 : index
    %get3A_7 = vector.load %arg8[%get3A_5, %get3A_6] : memref<1x1024xf32, #tpu.memory_space<vmem>>, vector<1x1024xf32>
    %get3A_8 = arith.constant 0 : index
    %get3A_9 = arith.constant 0 : index
    %get3A_10 = vector.load %arg9[%get3A_8, %get3A_9] : memref<1x1024xf32, #tpu.memory_space<vmem>>, vector<1x1024xf32>
    %reduce_max3A = vector.shape_cast %get3A_1 : vector<1x1024xf32> to vector<1x1x1024xf32>
    %reduce_max3A_11 = arith.constant dense<0xFF800000> : vector<1xf32>
    %reduce_max3A_12 = vector.multi_reduction <maximumf>, %reduce_max3A, %reduce_max3A_11 [1, 2] : vector<1x1x1024xf32> to vector<1xf32>
    %reduce_max3A_13 = vector.shape_cast %reduce_max3A_12 : vector<1xf32> to vector<1x1x1xf32>
    %reduce_max3A_14 = vector.extract %reduce_max3A_13[0, 0, 0] : f32 from vector<1x1x1xf32>
    %reduce_max3A_15 = vector.shape_cast %get3A_4 : vector<1x1024xf32> to vector<1x1x1024xf32>
    %reduce_max3A_16 = arith.constant dense<0xFF800000> : vector<1xf32>
    %reduce_max3A_17 = vector.multi_reduction <maximumf>, %reduce_max3A_15, %reduce_max3A_16 [1, 2] : vector<1x1x1024xf32> to vector<1xf32>
    %reduce_max3A_18 = vector.shape_cast %reduce_max3A_17 : vector<1xf32> to vector<1x1x1xf32>
    %reduce_max3A_19 = vector.extract %reduce_max3A_18[0, 0, 0] : f32 from vector<1x1x1xf32>
    %max3A = arith.maximumf %reduce_max3A_14, %reduce_max3A_19 : f32
    %reduce_max3A_20 = vector.shape_cast %get3A_7 : vector<1x1024xf32> to vector<1x1x1024xf32>
    %reduce_max3A_21 = arith.constant dense<0xFF800000> : vector<1xf32>
    %reduce_max3A_22 = vector.multi_reduction <maximumf>, %reduce_max3A_20, %reduce_max3A_21 [1, 2] : vector<1x1x1024xf32> to vector<1xf32>
    %reduce_max3A_23 = vector.shape_cast %reduce_max3A_22 : vector<1xf32> to vector<1x1x1xf32>
    %reduce_max3A_24 = vector.extract %reduce_max3A_23[0, 0, 0] : f32 from vector<1x1x1xf32>
    %reduce_max3A_25 = vector.shape_cast %get3A_10 : vector<1x1024xf32> to vector<1x1x1024xf32>
    %reduce_max3A_26 = arith.constant dense<0xFF800000> : vector<1xf32>
    %reduce_max3A_27 = vector.multi_reduction <maximumf>, %reduce_max3A_25, %reduce_max3A_26 [1, 2] : vector<1x1x1024xf32> to vector<1xf32>
    %reduce_max3A_28 = vector.shape_cast %reduce_max3A_27 : vector<1xf32> to vector<1x1x1xf32>
    %reduce_max3A_29 = vector.extract %reduce_max3A_28[0, 0, 0] : f32 from vector<1x1x1xf32>
    %max3A_30 = arith.maximumf %reduce_max3A_24, %reduce_max3A_29 : f32
    %max3A_31 = arith.maximumf %max3A, %max3A_30 : f32
    %add3A = arith.constant 1.000000e+00 : f32
    %add3A_32 = arith.addf %max3A_31, %add3A : f32
    %get3A_33 = arith.constant 0 : index
    %get3A_34 = arith.constant 0 : index
    %get3A_35 = vector.load %arg10[%get3A_33, %get3A_34] : memref<1x1024xf32, #tpu.memory_space<vmem>>, vector<1x1024xf32>
    %mul3A = vector.broadcast %add3A_32 : f32 to vector<1x1024xf32>
    %mul3A_36 = arith.mulf %get3A_35, %mul3A : vector<1x1024xf32>
    %get3A_37 = arith.constant 0 : index
    %get3A_38 = arith.constant 0 : index
    %get3A_39 = vector.load %arg5[%get3A_37, %get3A_38] : memref<128x1xf32, #tpu.memory_space<vmem>>, vector<128x1xf32>
    %mul3A_40 = vector.broadcast %add3A_32 : f32 to vector<128x1xf32>
    %mul3A_41 = arith.mulf %get3A_39, %mul3A_40 : vector<128x1xf32>
    %add3A_42 = arith.addf %get3A_1, %mul3A_36 : vector<1x1024xf32>
    %add3A_43 = arith.addf %get3A_4, %mul3A_36 : vector<1x1024xf32>
    %add3A_44 = arith.addf %get3A_7, %mul3A_36 : vector<1x1024xf32>
    %add3A_45 = arith.addf %get3A_10, %mul3A_36 : vector<1x1024xf32>
    %get3A_46 = arith.constant 0 : index
    %get3A_47 = arith.constant 0 : index
    %get3A_48 = vector.load %arg1[%get3A_46, %get3A_47] : memref<128x1xf32, #tpu.memory_space<vmem>>, vector<128x1xf32>
    %add3A_49 = arith.addf %get3A_48, %mul3A_41 : vector<128x1xf32>
    %get3A_50 = arith.constant 0 : index
    %get3A_51 = arith.constant 0 : index
    %get3A_52 = vector.load %arg2[%get3A_50, %get3A_51] : memref<128x1xf32, #tpu.memory_space<vmem>>, vector<128x1xf32>
    %add3A_53 = arith.addf %get3A_52, %mul3A_41 : vector<128x1xf32>
    %get3A_54 = arith.constant 0 : index
    %get3A_55 = arith.constant 0 : index
    %get3A_56 = vector.load %arg3[%get3A_54, %get3A_55] : memref<128x1xf32, #tpu.memory_space<vmem>>, vector<128x1xf32>
    %add3A_57 = arith.addf %get3A_56, %mul3A_41 : vector<128x1xf32>
    %get3A_58 = arith.constant 0 : index
    %get3A_59 = arith.constant 0 : index
    %get3A_60 = vector.load %arg4[%get3A_58, %get3A_59] : memref<128x1xf32, #tpu.memory_space<vmem>>, vector<128x1xf32>
    %add3A_61 = arith.addf %get3A_60, %mul3A_41 : vector<128x1xf32>
    %sub3A = arith.subf %add3A_57, %add3A_49 : vector<128x1xf32>
    %sub3A_62 = arith.subf %add3A_61, %add3A_53 : vector<128x1xf32>
    %mul3A_63 = arith.mulf %sub3A, %sub3A_62 : vector<128x1xf32>
    %sub3A_64 = arith.subf %add3A_44, %add3A_42 : vector<1x1024xf32>
    %sub3A_65 = arith.subf %add3A_45, %add3A_43 : vector<1x1024xf32>
    %mul3A_66 = arith.mulf %sub3A_64, %sub3A_65 : vector<1x1024xf32>
    %max3A_67 = vector.broadcast %add3A_49 : vector<128x1xf32> to vector<128x1024xf32>
    %max3A_68 = vector.broadcast %add3A_42 : vector<1x1024xf32> to vector<128x1024xf32>
    %max3A_69 = arith.maximumf %max3A_67, %max3A_68 : vector<128x1024xf32>
    %max3A_70 = vector.broadcast %add3A_53 : vector<128x1xf32> to vector<128x1024xf32>
    %max3A_71 = vector.broadcast %add3A_43 : vector<1x1024xf32> to vector<128x1024xf32>
    %max3A_72 = arith.maximumf %max3A_70, %max3A_71 : vector<128x1024xf32>
    %min3A = vector.broadcast %add3A_57 : vector<128x1xf32> to vector<128x1024xf32>
    %min3A_73 = vector.broadcast %add3A_44 : vector<1x1024xf32> to vector<128x1024xf32>
    %min3A_74 = arith.minimumf %min3A, %min3A_73 : vector<128x1024xf32>
    %min3A_75 = vector.broadcast %add3A_61 : vector<128x1xf32> to vector<128x1024xf32>
    %min3A_76 = vector.broadcast %add3A_45 : vector<1x1024xf32> to vector<128x1024xf32>
    %min3A_77 = arith.minimumf %min3A_75, %min3A_76 : vector<128x1024xf32>
    %sub3A_78 = arith.subf %min3A_74, %max3A_69 : vector<128x1024xf32>
    %max3A_79 = arith.constant 0.000000e+00 : f32
    %max3A_80 = vector.broadcast %max3A_79 : f32 to vector<128x1024xf32>
    %max3A_81 = arith.maximumf %sub3A_78, %max3A_80 : vector<128x1024xf32>
    %sub3A_82 = arith.subf %min3A_77, %max3A_72 : vector<128x1024xf32>
    %max3A_83 = arith.constant 0.000000e+00 : f32
    %max3A_84 = vector.broadcast %max3A_83 : f32 to vector<128x1024xf32>
    %max3A_85 = arith.maximumf %sub3A_82, %max3A_84 : vector<128x1024xf32>
    %mul3A_86 = arith.mulf %max3A_81, %max3A_85 : vector<128x1024xf32>
    %add3A_87 = vector.broadcast %mul3A_63 : vector<128x1xf32> to vector<128x1024xf32>
    %add3A_88 = vector.broadcast %mul3A_66 : vector<1x1024xf32> to vector<128x1024xf32>
    %add3A_89 = arith.addf %add3A_87, %add3A_88 : vector<128x1024xf32>
    %sub3A_90 = arith.subf %add3A_89, %mul3A_86 : vector<128x1024xf32>
    %add3A_91 = arith.constant 9.99999971E-10 : f32
    %add3A_92 = vector.broadcast %add3A_91 : f32 to vector<128x1024xf32>
    %add3A_93 = arith.addf %sub3A_90, %add3A_92 : vector<128x1024xf32>
    %div3A = arith.divf %mul3A_86, %add3A_93 : vector<128x1024xf32>
    %iota3A = tpu.iota {dimensions = array<i32: 0>} : vector<128x1024xi32>
    %mul3A_94 = arith.constant 128 : i32
    %mul3A_95 = arith.muli %arg0, %mul3A_94 : i32
    %add3A_96 = vector.broadcast %mul3A_95 : i32 to vector<128x1024xi32>
    %add3A_97 = arith.addi %iota3A, %add3A_96 : vector<128x1024xi32>
    %iota3A_98 = tpu.iota {dimensions = array<i32: 1>} : vector<128x1024xi32>
    %gt3A = arith.constant 5.000000e-01 : f32
    %gt3A_99 = vector.broadcast %gt3A : f32 to vector<128x1024xf32>
    %gt3A_100 = arith.cmpf ogt, %div3A, %gt3A_99 : vector<128x1024xf32>
    %lt3A = arith.cmpi slt, %add3A_97, %iota3A_98 : vector<128x1024xi32>
    %and3A = arith.andi %gt3A_100, %lt3A : vector<128x1024xi1>
    %jit3A = arith.constant 1.000000e+00 : f32
    %jit3A_101 = arith.constant 0.000000e+00 : f32
    %broadcast_in_dim3A = vector.broadcast %jit3A : f32 to vector<128x1024xf32>
    %broadcast_in_dim3A_102 = vector.broadcast %jit3A_101 : f32 to vector<128x1024xf32>
    %select_n3A = arith.select %and3A, %broadcast_in_dim3A, %broadcast_in_dim3A_102 : vector<128x1024xi1>, vector<128x1024xf32>
    %swap3A = arith.constant 0 : index
    %swap3A_103 = arith.constant 0 : index
    %swap3A_104 = vector.load %arg11[%swap3A, %swap3A_103] : memref<128x1024xf32, #tpu.memory_space<vmem>>, vector<128x1024xf32>
    tpu.vector_store %arg11[%swap3A, %swap3A_103], %select_n3A {strides = array<i32>} : memref<128x1024xf32, #tpu.memory_space<vmem>>, vector<128x1024xf32>,
    return
  }
  func.func @transform_0(%arg0: i32) -> (i32, i32) {
    %c0_i32 = arith.constant 0 : i32
    %c0_i32_0 = arith.constant 0 : i32
    return %arg0, %c0_i32 : i32, i32
  }
  func.func @transform_1(%arg0: i32) -> (i32, i32) {
    %c0_i32 = arith.constant 0 : i32
    %c0_i32_0 = arith.constant 0 : i32
    return %arg0, %c0_i32 : i32, i32
  }
  func.func @transform_2(%arg0: i32) -> (i32, i32) {
    %c0_i32 = arith.constant 0 : i32
    %c0_i32_0 = arith.constant 0 : i32
    return %arg0, %c0_i32 : i32, i32
  }
  func.func @transform_3(%arg0: i32) -> (i32, i32) {
    %c0_i32 = arith.constant 0 : i32
    %c0_i32_0 = arith.constant 0 : i32
    return %arg0, %c0_i32 : i32, i32
  }
  func.func @transform_4(%arg0: i32) -> (i32, i32) {
    %c0_i32 = arith.constant 0 : i32
    %c0_i32_0 = arith.constant 0 : i32
    return %arg0, %c0_i32 : i32, i32
  }
  func.func @transform_5(%arg0: i32) -> (i32, i32) {
    %c0_i32 = arith.constant 0 : i32
    %c0_i32_0 = arith.constant 0 : i32
    %c0_i32_1 = arith.constant 0 : i32
    return %c0_i32, %c0_i32_0 : i32, i32
  }
  func.func @transform_6(%arg0: i32) -> (i32, i32) {
    %c0_i32 = arith.constant 0 : i32
    %c0_i32_0 = arith.constant 0 : i32
    %c0_i32_1 = arith.constant 0 : i32
    return %c0_i32, %c0_i32_0 : i32, i32
  }
  func.func @transform_7(%arg0: i32) -> (i32, i32) {
    %c0_i32 = arith.constant 0 : i32
    %c0_i32_0 = arith.constant 0 : i32
    %c0_i32_1 = arith.constant 0 : i32
    return %c0_i32, %c0_i32_0 : i32, i32
  }
  func.func @transform_8(%arg0: i32) -> (i32, i32) {
    %c0_i32 = arith.constant 0 : i32
    %c0_i32_0 = arith.constant 0 : i32
    %c0_i32_1 = arith.constant 0 : i32
    return %c0_i32, %c0_i32_0 : i32, i32
  }
  func.func @transform_9(%arg0: i32) -> (i32, i32) {
    %c0_i32 = arith.constant 0 : i32
    %c0_i32_0 = arith.constant 0 : i32
    %c0_i32_1 = arith.constant 0 : i32
    return %c0_i32, %c0_i32_0 : i32, i32
  }
  func.func @transform_10(%arg0: i32) -> (i32, i32) {
    %c0_i32 = arith.constant 0 : i32
    %c0_i32_0 = arith.constant 0 : i32
    return %arg0, %c0_i32 : i32, i32
  }
}

module attributes {stable_mosaic.version = 14 : i64} {
  func.func @_nms_kernel(%arg0: memref<1024x1024xf32, #tpu.memory_space<vmem>>, %arg1: memref<1x1024xf32, #tpu.memory_space<vmem>>, %arg2: memref<1x1024xf32, #tpu.memory_space<vmem>>, %arg3: memref<1x1024xf32, #tpu.memory_space<vmem>>, %arg4: memref<1x1024xf32, #tpu.memory_space<vmem>>, %arg5: memref<1x1024xf32, #tpu.memory_space<vmem>>, %arg6: memref<1x1024xf32, #tpu.memory_space<vmem>>, %arg7: memref<1x128xf32, #tpu.memory_space<vmem>>, %arg8: memref<1x128xf32, #tpu.memory_space<vmem>>, %arg9: memref<1x128xf32, #tpu.memory_space<vmem>>, %arg10: memref<1x128xf32, #tpu.memory_space<vmem>>, %arg11: memref<1x128xf32, #tpu.memory_space<vmem>>, %arg12: memref<1x128xf32, #tpu.memory_space<vmem>>) attributes {dimension_semantics = [], scalar_prefetch = 0 : i64, scratch_operands = 0 : i64, tpu.core_type = #tpu.core_type<tc>} {
    %get3A = arith.constant 0 : index
    %get3A_0 = arith.constant 0 : index
    %get3A_1 = vector.load %arg0[%get3A, %get3A_0] : memref<1024x1024xf32, #tpu.memory_space<vmem>>, vector<1024x1024xf32>
    %get3A_2 = arith.constant 0 : index
    %get3A_3 = arith.constant 0 : index
    %get3A_4 = vector.load %arg1[%get3A_2, %get3A_3] : memref<1x1024xf32, #tpu.memory_space<vmem>>, vector<1x1024xf32>
    %gt3A = arith.constant 0.000000e+00 : f32
    %gt3A_5 = vector.broadcast %gt3A : f32 to vector<1x1024xf32>
    %gt3A_6 = arith.cmpf ogt, %get3A_4, %gt3A_5 : vector<1x1024xf32>
    %jit3A = arith.constant 1.000000e+00 : f32
    %jit3A_7 = arith.constant 0.000000e+00 : f32
    %broadcast_in_dim3A = vector.broadcast %jit3A : f32 to vector<1x1024xf32>
    %broadcast_in_dim3A_8 = vector.broadcast %jit3A_7 : f32 to vector<1x1024xf32>
    %select_n3A = arith.select %gt3A_6, %broadcast_in_dim3A, %broadcast_in_dim3A_8 : vector<1x1024xi1>, vector<1x1024xf32>
    %while3A = arith.constant true
    %while3A_9:2 = scf.while (%while3A_56 = %select_n3A, %while3A_57 = %while3A) : (vector<1x1024xf32>, i1) -> (vector<1x1024xf32>, i1) {
      scf.condition(%while3A_57) %while3A_56, %while3A_57 : vector<1x1024xf32>, i1
    } do {
    ^bb0(%while3A_56: vector<1x1024xf32>, %while3A_57: i1):
      %dot_general3A = arith.constant dense<0.000000e+00> : vector<1x1024xf32>
      %dot_general3A_58 = tpu.matmul %while3A_56, %get3A_1, %dot_general3A {dimension_numbers = #tpu.dot_dimension_numbers<[1], [0], [0], [1], [0, 0, 1, 1], [], []>, transpose_lhs_hint = false} : vector<1x1024xf32>, vector<1024x1024xf32>, vector<1x1024xf32> -> vector<1x1024xf32>
      %gt3A_59 = arith.constant 5.000000e-01 : f32
      %gt3A_60 = vector.broadcast %gt3A_59 : f32 to vector<1x1024xf32>
      %gt3A_61 = arith.cmpf ogt, %dot_general3A_58, %gt3A_60 : vector<1x1024xf32>
      %jit3A_62 = arith.constant 0.000000e+00 : f32
      %broadcast_in_dim3A_63 = vector.broadcast %jit3A_62 : f32 to vector<1x1024xf32>
      %select_n3A_64 = arith.select %gt3A_61, %broadcast_in_dim3A_63, %select_n3A : vector<1x1024xi1>, vector<1x1024xf32>
      %sub3A = arith.subf %select_n3A_64, %while3A_56 : vector<1x1024xf32>
      %abs3A = math.absf %sub3A : vector<1x1024xf32>
      %reduce_sum3A = vector.shape_cast %abs3A : vector<1x1024xf32> to vector<1x1x1024xf32>
      %reduce_sum3A_65 = arith.constant dense<0.000000e+00> : vector<1xf32>
      %reduce_sum3A_66 = vector.multi_reduction <add>, %reduce_sum3A, %reduce_sum3A_65 [1, 2] : vector<1x1x1024xf32> to vector<1xf32>
      %reduce_sum3A_67 = vector.shape_cast %reduce_sum3A_66 : vector<1xf32> to vector<1x1x1xf32>
      %reduce_sum3A_68 = vector.extract %reduce_sum3A_67[0, 0, 0] : f32 from vector<1x1x1xf32>
      %gt3A_69 = arith.constant 0.000000e+00 : f32
      %gt3A_70 = arith.cmpf ogt, %reduce_sum3A_68, %gt3A_69 : f32
      scf.yield %select_n3A_64, %gt3A_70 : vector<1x1024xf32>, i1
    }
    %gt3A_10 = arith.constant 5.000000e-01 : f32
    %gt3A_11 = vector.broadcast %gt3A_10 : f32 to vector<1x1024xf32>
    %gt3A_12 = arith.cmpf ogt, %while3A_9#0, %gt3A_11 : vector<1x1024xf32>
    %jit3A_13 = arith.constant -1.000000e+00 : f32
    %broadcast_in_dim3A_14 = vector.broadcast %jit3A_13 : f32 to vector<1x1024xf32>
    %select_n3A_15 = arith.select %gt3A_12, %get3A_4, %broadcast_in_dim3A_14 : vector<1x1024xi1>, vector<1x1024xf32>
    %iota3A = tpu.iota {dimensions = array<i32: 1>} : vector<1x1024xi32>
    %iota3A_16 = tpu.iota {dimensions = array<i32: 1>} : vector<1x128xi32>
    %get3A_17 = arith.constant 0 : index
    %get3A_18 = arith.constant 0 : index
    %get3A_19 = vector.load %arg2[%get3A_17, %get3A_18] : memref<1x1024xf32, #tpu.memory_space<vmem>>, vector<1x1024xf32>
    %get3A_20 = arith.constant 0 : index
    %get3A_21 = arith.constant 0 : index
    %get3A_22 = vector.load %arg3[%get3A_20, %get3A_21] : memref<1x1024xf32, #tpu.memory_space<vmem>>, vector<1x1024xf32>
    %get3A_23 = arith.constant 0 : index
    %get3A_24 = arith.constant 0 : index
    %get3A_25 = vector.load %arg4[%get3A_23, %get3A_24] : memref<1x1024xf32, #tpu.memory_space<vmem>>, vector<1x1024xf32>
    %get3A_26 = arith.constant 0 : index
    %get3A_27 = arith.constant 0 : index
    %get3A_28 = vector.load %arg5[%get3A_26, %get3A_27] : memref<1x1024xf32, #tpu.memory_space<vmem>>, vector<1x1024xf32>
    %get3A_29 = arith.constant 0 : index
    %get3A_30 = arith.constant 0 : index
    %get3A_31 = vector.load %arg6[%get3A_29, %get3A_30] : memref<1x1024xf32, #tpu.memory_space<vmem>>, vector<1x1024xf32>
    %broadcast_in_dim3A_32 = arith.constant 0.000000e+00 : f32
    %broadcast_in_dim3A_33 = vector.broadcast %broadcast_in_dim3A_32 : f32 to vector<1x128xf32>
    %scan3A = arith.constant 0 : i32
    %scan3A_34 = arith.constant 100 : i32
    %scan3A_35 = arith.addi %scan3A, %scan3A_34 : i32
    %scan3A_36 = arith.constant 1 : i32
    %scan3A_37:7 = scf.for %scan3A_56 = %scan3A to %scan3A_35 step %scan3A_36 iter_args(%scan3A_57 = %select_n3A_15, %scan3A_58 = %broadcast_in_dim3A_33, %scan3A_59 = %broadcast_in_dim3A_33, %scan3A_60 = %broadcast_in_dim3A_33, %scan3A_61 = %broadcast_in_dim3A_33, %scan3A_62 = %broadcast_in_dim3A_33, %scan3A_63 = %broadcast_in_dim3A_33) -> (vector<1x1024xf32>, vector<1x128xf32>, vector<1x128xf32>, vector<1x128xf32>, vector<1x128xf32>, vector<1x128xf32>, vector<1x128xf32>)  : i32 {
      %reduce_max3A = vector.shape_cast %scan3A_57 : vector<1x1024xf32> to vector<1x1x1024xf32>
      %reduce_max3A_64 = arith.constant dense<0xFF800000> : vector<1xf32>
      %reduce_max3A_65 = vector.multi_reduction <maximumf>, %reduce_max3A, %reduce_max3A_64 [1, 2] : vector<1x1x1024xf32> to vector<1xf32>
      %reduce_max3A_66 = vector.shape_cast %reduce_max3A_65 : vector<1xf32> to vector<1x1x1xf32>
      %reduce_max3A_67 = vector.extract %reduce_max3A_66[0, 0, 0] : f32 from vector<1x1x1xf32>
      %broadcast_in_dim3A_68 = vector.broadcast %reduce_max3A_67 : f32 to vector<1x1xf32>
      %eq3A = vector.broadcast %broadcast_in_dim3A_68 : vector<1x1xf32> to vector<1x1024xf32>
      %eq3A_69 = arith.cmpf oeq, %scan3A_57, %eq3A : vector<1x1024xf32>
      %jit3A_70 = arith.constant 1025 : i32
      %broadcast_in_dim3A_71 = vector.broadcast %jit3A_70 : i32 to vector<1x1024xi32>
      %select_n3A_72 = arith.select %eq3A_69, %iota3A, %broadcast_in_dim3A_71 : vector<1x1024xi1>, vector<1x1024xi32>
      %reduce_min3A = vector.shape_cast %select_n3A_72 : vector<1x1024xi32> to vector<1x1x1024xi32>
      %reduce_min3A_73 = arith.constant dense<2147483647> : vector<1xi32>
      %reduce_min3A_74 = vector.multi_reduction <minsi>, %reduce_min3A, %reduce_min3A_73 [1, 2] : vector<1x1x1024xi32> to vector<1xi32>
      %reduce_min3A_75 = vector.shape_cast %reduce_min3A_74 : vector<1xi32> to vector<1x1x1xi32>
      %reduce_min3A_76 = vector.extract %reduce_min3A_75[0, 0, 0] : i32 from vector<1x1x1xi32>
      %broadcast_in_dim3A_77 = vector.broadcast %reduce_min3A_76 : i32 to vector<1x1xi32>
      %eq3A_78 = vector.broadcast %broadcast_in_dim3A_77 : vector<1x1xi32> to vector<1x1024xi32>
      %eq3A_79 = arith.cmpi eq, %iota3A, %eq3A_78 : vector<1x1024xi32>
      %jit3A_80 = arith.constant 1.000000e+00 : f32
      %jit3A_81 = arith.constant 0.000000e+00 : f32
      %broadcast_in_dim3A_82 = vector.broadcast %jit3A_80 : f32 to vector<1x1024xf32>
      %broadcast_in_dim3A_83 = vector.broadcast %jit3A_81 : f32 to vector<1x1024xf32>
      %select_n3A_84 = arith.select %eq3A_79, %broadcast_in_dim3A_82, %broadcast_in_dim3A_83 : vector<1x1024xi1>, vector<1x1024xf32>
      %eq3A_85 = vector.broadcast %scan3A_56 : i32 to vector<1x128xi32>
      %eq3A_86 = arith.cmpi eq, %iota3A_16, %eq3A_85 : vector<1x128xi32>
      %jit3A_87 = arith.constant 1.000000e+00 : f32
      %jit3A_88 = arith.constant 0.000000e+00 : f32
      %broadcast_in_dim3A_89 = vector.broadcast %jit3A_87 : f32 to vector<1x128xf32>
      %broadcast_in_dim3A_90 = vector.broadcast %jit3A_88 : f32 to vector<1x128xf32>
      %select_n3A_91 = arith.select %eq3A_86, %broadcast_in_dim3A_89, %broadcast_in_dim3A_90 : vector<1x128xi1>, vector<1x128xf32>
      %mul3A = vector.broadcast %broadcast_in_dim3A_68 : vector<1x1xf32> to vector<1x128xf32>
      %mul3A_92 = arith.mulf %select_n3A_91, %mul3A : vector<1x128xf32>
      %add3A = arith.addf %scan3A_58, %mul3A_92 : vector<1x128xf32>
      %mul3A_93 = arith.mulf %select_n3A_84, %get3A_19 : vector<1x1024xf32>
      %reduce_sum3A = vector.shape_cast %mul3A_93 : vector<1x1024xf32> to vector<1x1x1024xf32>
      %reduce_sum3A_94 = arith.constant dense<0.000000e+00> : vector<1xf32>
      %reduce_sum3A_95 = vector.multi_reduction <add>, %reduce_sum3A, %reduce_sum3A_94 [1, 2] : vector<1x1x1024xf32> to vector<1xf32>
      %reduce_sum3A_96 = vector.shape_cast %reduce_sum3A_95 : vector<1xf32> to vector<1x1x1xf32>
      %reduce_sum3A_97 = vector.extract %reduce_sum3A_96[0, 0, 0] : f32 from vector<1x1x1xf32>
      %broadcast_in_dim3A_98 = vector.broadcast %reduce_sum3A_97 : f32 to vector<1x1xf32>
      %mul3A_99 = vector.broadcast %broadcast_in_dim3A_98 : vector<1x1xf32> to vector<1x128xf32>
      %mul3A_100 = arith.mulf %select_n3A_91, %mul3A_99 : vector<1x128xf32>
      %add3A_101 = arith.addf %scan3A_59, %mul3A_100 : vector<1x128xf32>
      %mul3A_102 = arith.mulf %select_n3A_84, %get3A_22 : vector<1x1024xf32>
      %reduce_sum3A_103 = vector.shape_cast %mul3A_102 : vector<1x1024xf32> to vector<1x1x1024xf32>
      %reduce_sum3A_104 = arith.constant dense<0.000000e+00> : vector<1xf32>
      %reduce_sum3A_105 = vector.multi_reduction <add>, %reduce_sum3A_103, %reduce_sum3A_104 [1, 2] : vector<1x1x1024xf32> to vector<1xf32>
      %reduce_sum3A_106 = vector.shape_cast %reduce_sum3A_105 : vector<1xf32> to vector<1x1x1xf32>
      %reduce_sum3A_107 = vector.extract %reduce_sum3A_106[0, 0, 0] : f32 from vector<1x1x1xf32>
      %broadcast_in_dim3A_108 = vector.broadcast %reduce_sum3A_107 : f32 to vector<1x1xf32>
      %mul3A_109 = vector.broadcast %broadcast_in_dim3A_108 : vector<1x1xf32> to vector<1x128xf32>
      %mul3A_110 = arith.mulf %select_n3A_91, %mul3A_109 : vector<1x128xf32>
      %add3A_111 = arith.addf %scan3A_60, %mul3A_110 : vector<1x128xf32>
      %mul3A_112 = arith.mulf %select_n3A_84, %get3A_25 : vector<1x1024xf32>
      %reduce_sum3A_113 = vector.shape_cast %mul3A_112 : vector<1x1024xf32> to vector<1x1x1024xf32>
      %reduce_sum3A_114 = arith.constant dense<0.000000e+00> : vector<1xf32>
      %reduce_sum3A_115 = vector.multi_reduction <add>, %reduce_sum3A_113, %reduce_sum3A_114 [1, 2] : vector<1x1x1024xf32> to vector<1xf32>
      %reduce_sum3A_116 = vector.shape_cast %reduce_sum3A_115 : vector<1xf32> to vector<1x1x1xf32>
      %reduce_sum3A_117 = vector.extract %reduce_sum3A_116[0, 0, 0] : f32 from vector<1x1x1xf32>
      %broadcast_in_dim3A_118 = vector.broadcast %reduce_sum3A_117 : f32 to vector<1x1xf32>
      %mul3A_119 = vector.broadcast %broadcast_in_dim3A_118 : vector<1x1xf32> to vector<1x128xf32>
      %mul3A_120 = arith.mulf %select_n3A_91, %mul3A_119 : vector<1x128xf32>
      %add3A_121 = arith.addf %scan3A_61, %mul3A_120 : vector<1x128xf32>
      %mul3A_122 = arith.mulf %select_n3A_84, %get3A_28 : vector<1x1024xf32>
      %reduce_sum3A_123 = vector.shape_cast %mul3A_122 : vector<1x1024xf32> to vector<1x1x1024xf32>
      %reduce_sum3A_124 = arith.constant dense<0.000000e+00> : vector<1xf32>
      %reduce_sum3A_125 = vector.multi_reduction <add>, %reduce_sum3A_123, %reduce_sum3A_124 [1, 2] : vector<1x1x1024xf32> to vector<1xf32>
      %reduce_sum3A_126 = vector.shape_cast %reduce_sum3A_125 : vector<1xf32> to vector<1x1x1xf32>
      %reduce_sum3A_127 = vector.extract %reduce_sum3A_126[0, 0, 0] : f32 from vector<1x1x1xf32>
      %broadcast_in_dim3A_128 = vector.broadcast %reduce_sum3A_127 : f32 to vector<1x1xf32>
      %mul3A_129 = vector.broadcast %broadcast_in_dim3A_128 : vector<1x1xf32> to vector<1x128xf32>
      %mul3A_130 = arith.mulf %select_n3A_91, %mul3A_129 : vector<1x128xf32>
      %add3A_131 = arith.addf %scan3A_62, %mul3A_130 : vector<1x128xf32>
      %mul3A_132 = arith.mulf %select_n3A_84, %get3A_31 : vector<1x1024xf32>
      %reduce_sum3A_133 = vector.shape_cast %mul3A_132 : vector<1x1024xf32> to vector<1x1x1024xf32>
      %reduce_sum3A_134 = arith.constant dense<0.000000e+00> : vector<1xf32>
      %reduce_sum3A_135 = vector.multi_reduction <add>, %reduce_sum3A_133, %reduce_sum3A_134 [1, 2] : vector<1x1x1024xf32> to vector<1xf32>
      %reduce_sum3A_136 = vector.shape_cast %reduce_sum3A_135 : vector<1xf32> to vector<1x1x1xf32>
      %reduce_sum3A_137 = vector.extract %reduce_sum3A_136[0, 0, 0] : f32 from vector<1x1x1xf32>
      %broadcast_in_dim3A_138 = vector.broadcast %reduce_sum3A_137 : f32 to vector<1x1xf32>
      %mul3A_139 = vector.broadcast %broadcast_in_dim3A_138 : vector<1x1xf32> to vector<1x128xf32>
      %mul3A_140 = arith.mulf %select_n3A_91, %mul3A_139 : vector<1x128xf32>
      %add3A_141 = arith.addf %scan3A_63, %mul3A_140 : vector<1x128xf32>
      %eq3A_142 = vector.broadcast %broadcast_in_dim3A_77 : vector<1x1xi32> to vector<1x1024xi32>
      %eq3A_143 = arith.cmpi eq, %iota3A, %eq3A_142 : vector<1x1024xi32>
      %jit3A_144 = arith.constant 0xFF800000 : f32
      %broadcast_in_dim3A_145 = vector.broadcast %jit3A_144 : f32 to vector<1x1024xf32>
      %select_n3A_146 = arith.select %eq3A_143, %broadcast_in_dim3A_145, %scan3A_57 : vector<1x1024xi1>, vector<1x1024xf32>
      scf.yield %select_n3A_146, %add3A, %add3A_101, %add3A_111, %add3A_121, %add3A_131, %add3A_141 : vector<1x1024xf32>, vector<1x128xf32>, vector<1x128xf32>, vector<1x128xf32>, vector<1x128xf32>, vector<1x128xf32>, vector<1x128xf32>
    }
    %scan3A_38 = arith.constant 100 : i32
    %swap3A = arith.constant 0 : index
    %swap3A_39 = arith.constant 0 : index
    %swap3A_40 = vector.load %arg7[%swap3A, %swap3A_39] : memref<1x128xf32, #tpu.memory_space<vmem>>, vector<1x128xf32>
    tpu.vector_store %arg7[%swap3A, %swap3A_39], %scan3A_37#1 {strides = array<i32>} : memref<1x128xf32, #tpu.memory_space<vmem>>, vector<1x128xf32>,
    %swap3A_41 = arith.constant 0 : index
    %swap3A_42 = arith.constant 0 : index
    %swap3A_43 = vector.load %arg8[%swap3A_41, %swap3A_42] : memref<1x128xf32, #tpu.memory_space<vmem>>, vector<1x128xf32>
    tpu.vector_store %arg8[%swap3A_41, %swap3A_42], %scan3A_37#2 {strides = array<i32>} : memref<1x128xf32, #tpu.memory_space<vmem>>, vector<1x128xf32>,
    %swap3A_44 = arith.constant 0 : index
    %swap3A_45 = arith.constant 0 : index
    %swap3A_46 = vector.load %arg9[%swap3A_44, %swap3A_45] : memref<1x128xf32, #tpu.memory_space<vmem>>, vector<1x128xf32>
    tpu.vector_store %arg9[%swap3A_44, %swap3A_45], %scan3A_37#3 {strides = array<i32>} : memref<1x128xf32, #tpu.memory_space<vmem>>, vector<1x128xf32>,
    %swap3A_47 = arith.constant 0 : index
    %swap3A_48 = arith.constant 0 : index
    %swap3A_49 = vector.load %arg10[%swap3A_47, %swap3A_48] : memref<1x128xf32, #tpu.memory_space<vmem>>, vector<1x128xf32>
    tpu.vector_store %arg10[%swap3A_47, %swap3A_48], %scan3A_37#4 {strides = array<i32>} : memref<1x128xf32, #tpu.memory_space<vmem>>, vector<1x128xf32>,
    %swap3A_50 = arith.constant 0 : index
    %swap3A_51 = arith.constant 0 : index
    %swap3A_52 = vector.load %arg11[%swap3A_50, %swap3A_51] : memref<1x128xf32, #tpu.memory_space<vmem>>, vector<1x128xf32>
    tpu.vector_store %arg11[%swap3A_50, %swap3A_51], %scan3A_37#5 {strides = array<i32>} : memref<1x128xf32, #tpu.memory_space<vmem>>, vector<1x128xf32>,
    %swap3A_53 = arith.constant 0 : index
    %swap3A_54 = arith.constant 0 : index
    %swap3A_55 = vector.load %arg12[%swap3A_53, %swap3A_54] : memref<1x128xf32, #tpu.memory_space<vmem>>, vector<1x128xf32>
    tpu.vector_store %arg12[%swap3A_53, %swap3A_54], %scan3A_37#6 {strides = array<i32>} : memref<1x128xf32, #tpu.memory_space<vmem>>, vector<1x128xf32>,
    return
  }
}

</mosaic_0001>

<sc_bundles>
// kernel: scatter_offload_async_start
scs
__scs_entry_jumppad:
0x0: {  	(pc) =	sbr.rel $0x88, $3  }
0x1: {  	(tag) =	ssettag $0x0;
	lr =	simm.s32 $0x1  }
0x2: {  	[smem:$0x3F9E] =	sst lr;
	_ =	strace $0xD0000000  }
0x3: {  	_ = 	snop  }
0x4: {  	_ = 	snop  }
0x5: {  	_ = 	snop  }
0x6: {  	_ = 	snop  }
0x7: {  	_ = 	snop  }
__scs_overlays_trampoline_lowered:
0x8: {  	[smem:$0x3FAD] =	sst s0  }
0x9: {  	[smem:$0x3FAE] =	sst s1  }
0xa: {  	[smem:$0x3FAF] =	sst s2  }
0xb: {  	[smem:$0x3FB0] =	sst s3  }
0xc: {  	[smem:$0x3FB1] =	sst s4  }
0xd: {  	[smem:$0x3FB2] =	sst s5  }
0xe: {  	[smem:$0x3FB3] =	sst s6  }
0xf: {  	[smem:$0x3FB4] =	sst s7  }
0x10: {  	[smem:$0x3FB5] =	sst s8  }
0x11: {  	[smem:$0x3FB6] =	sst s9;
	s0 =	simm.s32 @!p0 $0x0  }
0x12: {  	s1 =	sld [smem:$0x3F9C];
	s0 =	simm.s32 @p0 $0x1  }
0x13: {  	[smem:$0x3FB7] =	sst s0;
	s0 =	simm.s32 @!p1 $0x0  }
0x14: {  	s2 =	sld [smem:$0x3F9B];
	s0 =	simm.s32 @p1 $0x1  }
0x15: {  	[smem:$0x3FB8] =	sst s0;
	s0 =	simm.s32 @!p2 $0x0  }
0x16: {  	s3 =	sld [smem:$0x3FDB];
	s0 =	simm.s32 @p2 $0x1  }
0x17: {  	s4 =	simm.s32 $0x1BF5;
	[smem:$0x3FBA] =	sst s0  }
0x18: {  	s0 =	sld [smem:$0x3F9D];
	_ =	swait.ge [sflag:s4], $0x0  }
0x19: {  	s7 =	sld [smem:$0x3F9E]  }
0x1a: {  	s8 =	sadd.s32 $0xFFFFE003, lr  }
0x1b: {  	s9 =	sadd.s32 $0xFFFFFEF7, lr;
	s5 =	simm.s32 $0xFFFFFFFF;
	p2 =	slt.u32 s8, $0xFFFFF086  }
0x1c: {  	p1 =	slt.u32 s9, $0xF7A;
	s5 =	simm.s32 @!p2 $0x0  }
0x1d: {  	s5 =	simm.s32 @p1 $0x1;
	p0 =	seq.s32 s7, s2  }
0x1e: {  	s7 =	smul.u32 @!p0 $0xF7A, s2;
	p2 =	seq.s32 @!p0 s5, $0x0  }
0x1f: {  	s9 =	smul.u32 $0xF7A, s1;
	s8 =	simm.s32 @!p0 $0x1BF5;
	p2 =	por !p2, p0  }
0x20: {  	[sflag:s8] =	ssyncset.s32 @!p0 $0xFFFFF086;
	s6 =	sadd.s32 @!p0 s3, s7;
	s7 =	simm.s32 @!p0 $0x108  }
0x21: {  	s3 =	sadd.s32 s3, s9;
	s6 =	sadd.s32 @!p0 $0x88, s6;
	s7 =	simm.s32 @p2 $0x1082  }
0x22: {  	[simem:s7], [sflag:s8] =	dma.local @!p0 [hbm:s6], $0xF7A  }
0x23: {  	s9 =	sor.u32 $0xD0000000, s2;
	s6 =	simm.s32 $0x108;
	_ =	swait.ge @!p0 [sflag:s8], $0x0  }
0x24: {  	s3 =	sadd.s32 $0x88, s3;
	s6 =	simm.s32 @!p1 $0x1082;
	[sflag:s4] =	ssyncset.s32 $0xFFFFF086  }
0x25: {  	[simem:s6], [sflag:s4] =	dma.local [hbm:s3], $0xF7A  }
0x26: {  	[smem:$0x3F9E] =	sst s1;
	(tag) =	ssettag s2;
	_ =	strace s9  }
0x27: {  	s1 =	sld [smem:$0x3FAE]  }
0x28: {  	s2 =	sld [smem:$0x3FAF]  }
0x29: {  	s4 =	sld [smem:$0x3FB1]  }
0x2a: {  	p0 =	seq.s32 s5, $0x0;
	s5 =	sld [smem:$0x3FB2]  }
0x2b: {  	s6 =	sld [smem:$0x3FB3]  }
0x2c: {  	s7 =	sld [smem:$0x3FB4]  }
0x2d: {  	s3 =	simm.s32 $0x108;
	s8 =	sld [smem:$0x3FB5]  }
0x2e: {  	s3 =	simm.s32 @!p0 $0x1082;
	s9 =	sld [smem:$0x3FB6]  }
0x2f: {  	lr =	sadd.s32 s0, s3;
	s0 =	sld [smem:$0x3FAD]  }
0x30: {  	s3 =	sld [smem:$0x3FB0]  }
0x31: {  	[smem:$0x3FB9] =	sst s10  }
0x32: {  	s10 =	sld [smem:$0x3FB7];
	_ =	sdelay $0x3  }
0x33: {  	p0 =	seq.s32 s10, $0x1;
	s10 =	sld [smem:$0x3FB9];
	_ =	sdelay $0x3  }
0x34: {  	[smem:$0x3FB9] =	sst s10  }
0x35: {  	s10 =	sld [smem:$0x3FB8];
	_ =	sdelay $0x3  }
0x36: {  	p1 =	seq.s32 s10, $0x1;
	s10 =	sld [smem:$0x3FB9];
	_ =	sdelay $0x3  }
0x37: {  	[smem:$0x3FB9] =	sst s10  }
0x38: {  	s10 =	sld [smem:$0x3FBA]  }
0x39: {  	_ = 	snop;
	(pc) =	sbr.ind lr, $3  }
0x3a: {  	_ = 	snop  }
0x3b: {  	_ = 	snop  }
0x3c: {  	p2 =	seq.s32 s10, $0x1;
	s10 =	sld [smem:$0x3FB9]  }
0x3d: {  	_ =	shalt  }
0x3e: {  	_ =	shalt  }
0x3f: {  	_ =	shalt  }
0x40: {  	_ =	shalt  }
0x41: {  	_ =	shalt  }
0x42: {  	_ =	shalt  }
0x43: {  	_ =	shalt  }
0x44: {  	_ =	shalt  }
0x45: {  	_ =	shalt  }
0x46: {  	_ =	shalt  }
0x47: {  	_ =	shalt  }
0x48: {  	_ =	shalt  }
0x49: {  	_ =	shalt  }
0x4a: {  	_ =	shalt  }
0x4b: {  	_ =	shalt  }
0x4c: {  	_ =	shalt  }
0x4d: {  	_ =	shalt  }
0x4e: {  	_ =	shalt  }
0x4f: {  	_ =	shalt  }
0x50: {  	_ =	shalt  }
0x51: {  	_ =	shalt  }
0x52: {  	_ =	shalt  }
0x53: {  	_ =	shalt  }
0x54: {  	_ =	shalt  }
0x55: {  	_ =	shalt  }
0x56: {  	_ =	shalt  }
0x57: {  	_ =	shalt  }
0x58: {  	_ =	shalt  }
0x59: {  	_ =	shalt  }
0x5a: {  	_ =	shalt  }
0x5b: {  	_ =	shalt  }
0x5c: {  	_ =	shalt  }
0x5d: {  	_ =	shalt  }
0x5e: {  	_ =	shalt  }
0x5f: {  	_ =	shalt  }
0x60: {  	_ =	shalt  }
0x61: {  	_ =	shalt  }
0x62: {  	_ =	shalt  }
0x63: {  	_ =	shalt  }
0x64: {  	_ =	shalt  }
0x65: {  	_ =	shalt  }
0x66: {  	_ =	shalt  }
0x67: {  	_ =	shalt  }
0x68: {  	_ =	shalt  }
0x69: {  	_ =	shalt  }
0x6a: {  	_ =	shalt  }
0x6b: {  	_ =	shalt  }
0x6c: {  	_ =	shalt  }
0x6d: {  	_ =	shalt  }
0x6e: {  	_ =	shalt  }
0x6f: {  	_ =	shalt  }
0x70: {  	_ =	shalt  }
0x71: {  	_ =	shalt  }
0x72: {  	_ =	shalt  }
0x73: {  	_ =	shalt  }
0x74: {  	_ =	shalt  }
0x75: {  	_ =	shalt  }
0x76: {  	_ =	shalt  }
0x77: {  	_ =	shalt  }
0x78: {  	_ =	shalt  }
0x79: {  	_ =	shalt  }
0x7a: {  	_ =	shalt  }
0x7b: {  	_ =	shalt  }
0x7c: {  	_ =	shalt  }
0x7d: {  	_ =	shalt  }
0x7e: {  	_ =	shalt  }
0x7f: {  	_ =	shalt  }
0x80: {  	_ =	shalt  }
0x81: {  	_ =	shalt  }
0x82: {  	_ =	shalt  }
0x83: {  	_ =	shalt  }
0x84: {  	_ =	shalt  }
0x85: {  	_ =	shalt  }
0x86: {  	_ =	shalt  }
0x87: {  	_ =	shalt  }
.Lfunc_end0:
.L_simem_size_0:
called_computation_lowered:
.L_overlay_start_0:
0x88: {  	s0 =	sld [smem:$0x3FD9]  }
0x89: {  	s1 =	sld [smem:$0x3FFE];
	_ =	sdelay $0x3  }
0x8a: {  	s0 =	sadd.s32 s1, s0  }
0x8b: {  	[smem:$0x3FC5] =	sst s0  }
0x8c: {  	_ = 	snop  }
0x8d: {  	(tm) =	ssettm $0x1  }
0x8e: {  	s15 =	sld [smem:$0x3FFB];
	_ =	sdelay $0x3  }
0x8f: {  	_ =	strace s15  }
0x90: {  	s0 =	sld [smem:$0x3FFC];
	_ =	sdelay $0x3  }
0x91: {  	_ =	strace s0  }
0x92: {  	s0 =	sld [smem:$0x3FFD];
	_ =	sdelay $0x3  }
0x93: {  	_ =	strace s0  }
0x94: {  	_ =	strace $0x8FFFFFFF  }
0x95: {  	s16 =	sld [smem:$0x3FDB];
	_ =	sdelay $0x1  }
0x96: {  	s17 =	simm.s32 $_scs_section_size  }
0x97: {  	s2 =	simm.s32 $_size__tile_overlayer_lowered;
	s3 =	simm.s32 $_tile_overlayer_lowered  }
0x98: {  	s20 =	simm.s32 $0x1BFF;
	s19 =	sshll.u32 s3, $0x1;
	s0 =	sadd.s32 s17, s16  }
0x99: {  	s4 =	simm.s32 $0x0;
	s18 =	sshll.u32 s2, $0x1;
	s2 =	sadd.s32 s19, s0  }
0x9a: {  	[timem:s4], [sflag:s20] =	dma.local [hbm:s2], s18  }
0x9b: {  	_ =	swait.ge [sflag:s20], s18  }
0x9c: {  	s1 =	ssub.s32 $0x0, s18;
	[sflag:s20] =	ssyncset.done $0x0  }
0x9d: {  	[sflag:s20] =	ssyncadd.s32 s1;
	_ =	sdelay $0x1  }
0x9e: {  	s21 =	simm.s32 $0x1B8B  }
0x9f: {  	_ =	swait.ge [sflag:s21], $0x1  }
0xa0: {  	[sflag:s21] =	ssyncset.done $0x0  }
0xa1: {  	s23 =	simm.s32 $0x1B8E;
	s22 =	sld [smem:$0x3FFE];
	[sflag:s21] =	ssyncadd.s32 $0xFFFFFFFF  }
0xa2: {  	s24 =	simm.s32 $execute0_lowered;
	[smem:$0x3FD2] =	sst s23  }
0xa3: {  	s2 =	sshll.u32 s24, $0x1;
	_ =	strace $0x80000046;
	[dreg:$0x1] =	wrdreg $0xFFFFFFFF  }
0xa4: {  	s25 =	simm.s32 $_size_execute0_lowered;
	s0 =	sadd.s32 s0, s2;
	[dreg:$0x0] =	wrdreg $0x0  }
0xa5: {  	s2 =	sshll.u32 s25, $0x1;
	[dreg:$0x2] =	wrdreg s0  }
0xa6: {  	[dreg:$0x3] =	wrdreg s2  }
0xa7: {  	[dreg:$0x4] =	wrdreg $0xC0  }
0xa8: {  	_ =	task [dreg:s4], $0x5FFFF  }
0xa9: {  	[dreg:$0x1] =	wrdreg $0xFFFFFFFF  }
0xaa: {  	[dreg:$0x0] =	wrdreg $0x60  }
0xab: {  	[dreg:$0x2] =	wrdreg s22  }
0xac: {  	[dreg:$0x3] =	wrdreg $0x9  }
0xad: {  	_ =	task.clear_ibuf [dreg:s4], $0x4FFFF;
	_ =	strace $0x90000046  }
0xae: {  	s26 =	simm.s32 $0x9;
	_ =	strace $0x80000048  }
0xaf: {  	_ =	swait.ge [sflag:s26], $0x1  }
0xb0: {  	[sflag:s26] =	ssyncadd.s32 $0xFFFFFFFF  }
0xb1: {  	_ =	strace $0x90000048  }
0xb2: {  	_ =	sfence  }
0xb3: {  	s28 =	sld [smem:$0x0];
	_ =	sdelay $0x1  }
0xb4: {  	s29 =	srdreg.scid  }
0xb5: {  	s30 =	sshll.u32 s29, $0xD;
	s31 =	sshrl.u32 s29, $0x2  }
0xb6: {  	s1 =	sand.u32 $0x1, s29;
	s2 =	sand.u32 $0x4000, s30;
	s0 =	sadd.s32 s31, s28  }
0xb7: {  	s1 =	sor.u32 s2, s1;
	s0 =	sshll.u32 s0, $0x11  }
0xb8: {  	s0 =	sor.u32 s0, s1  }
0xb9: {  	s0 =	sadd.s32 $0x8F2B, s0  }
0xba: {  	[sflag:s0] =	ssyncadd.remote.s32 $0x1  }
0xbb: {  	_ =	sfence.sel $0xFFFF  }
0xbc: {  	[dreg:$0x0] =	wrdreg $0xFFFFFFFF;
	(pc) =	sbr.abs _section_cstart, $3  }
0xbd: {  	[dreg:$0x1] =	wrdreg $0xFFFFFFFF  }
0xbe: {  	_ =	task.clear_ibuf [dreg:s4], $0x2FFFF;
	_ =	strace $0x9FFFFFFF  }
0xbf: {  	(tm) =	ssettm $0x7FFFFFFF  }
tec
execute0_lowered:
.L_overlay_start_1:
0x0: {  	(tag) =	ssettag $0x1  }
0x1: {  	s7 =	rddreg [dreg:$0x0]  }
0x2: {  	s0 =	rddreg [dreg:$0x1];
	_ =	strace $0x80000047  }
0x3: {  	s3 =	stileid.u32;
	s4 =	simm.s32 $0x3E;
	s1 =	sadd.s32 $0x66200, s7  }
0x4: {  	p0 =	sne.s32 s3, $0x0;
	[sflag:s4] =	ssyncpa.u1 $0x0;
	s29 =	smin.u32 s3, $0xB  }
0x5: {  	s30 =	sshll.u32 s3, $0x2;
	s2 =	simm.s32 @!p0 $0x1C3E;
	s5 =	simm.s32 @!p0 $0x0  }
0x6: {  	[spmem:s5], [sflag:s2] =	dma.local @!p0 [hbm:s1], $0x80  }
0x7: {  	s2 =	sadd.s32 s29, s30  }
0x8: {  	p1 =	slt.u32 s3, $0xB;
	s3 =	simm.s32 $0x7530;
	s2 =	smul.u32 $0x1770, s2  }
0x9: {  	s3 =	simm.s32 @!p1 $0x5DC0  }
0xa: {  	s3 =	sadd.s32 s3, s2  }
0xb: {  	s3 =	smin.u32 s3, $0x6DDD0  }
0xc: {  	s8 =	ssub.s32 s3, s2  }
0xd: {  	p1 =	sgt.s32 s8, $0x0  }
0xe: {  	s8 =	simm.s32 @!p1 $0x0  }
0xf: {  	s5 =	simm.s32 @!p0 $0x3E;
	s31 =	smulhi.u32 $0x57619F1, s8  }
0x10: {  	_ =	swait.ge @!p0 [sflag:s5], $0x80  }
0x11: {  	s6 =	simm.s32 $0x2;
	[sflag:s5] =	ssyncset.done @!p0 $0x0;
	s9 =	sshrl.u32 s31, $0x7  }
0x12: {  	s11 =	simm.s32 $0x0;
	[sflag:s5] =	ssyncadd.s32 @!p0 $0xFFFFFF80;
	s10 =	smul.u32 $0x1770, s9  }
.Ltmp0:
0x13: {  	s5 =	sadd.s32 $0xDC00, s7;
	[bflag:$0x0] =	sbarrier.arrive $0xFFFF;
	(pc) =	sbr.rel .LBB2_1-.Ltmp0, $4  }
0x14: {  	s7 =	sadd.s32 $0x58600, s7;
	[sflag:s4] =	ssyncpa.u1 $0x1;
	s4 =	simm.s32 $0x1  }
0x15: {  	[sflag:s4] =	ssyncpa.u1 $0x0;
	p1 =	sne.s32 s8, s10;
	s8 =	simm.s32 $0x1  }
0x16: {  	(ifvalue) =	ssetifvalue $0x400;
	[sflag:s6] =	ssyncpa.u1 $0x0;
	s8 =	simm.s32 @!p1 $0x0  }
0x17: {  	vm0 =	vmmov $0xffff;
	s10 =	smov.u32 s2;
	s8 =	sadd.s32 s8, s9;
	s9 =	simm.s32 $0x0  }
.LBB2_5:
0x18: {  	p2 =	sne.s32 s11, s8  }
.Ltmp1:
0x19: {  	_ = 	snop;
	(pc) =	sbr.rel @!p2 .LBB2_6-.Ltmp1, $4  }
0x1a: {  	_ = 	snop  }
0x1b: {  	s12 =	sadd.s32 $0x1770, s10  }
0x1c: {  	s10 =	smov.u32 s2;
	s13 =	sadd.s32 $0x1, s11;
	p1 =	slt.s32 s12, s3  }
0x1d: {  	s11 =	smov.u32 s13;
	s10 =	smov.u32 @p1 s12  }
.LBB2_1:
0x1e: {  	p1 =	sge.u32 s11, s8  }
0x1f: {  	s12 =	sxor.u32 @!p1 $0xFFFFFFFF, s11  }
0x20: {  	s12 =	sand.u32 @!p1 $0x1, s12  }
0x21: {  	s12 =	smul.u32 @!p1 $0x1770, s12  }
0x22: {  	s13 =	sshrl.u32 @!p1 s10, $0x3  }
0x23: {  	s16 =	sand.u32 @!p1 $0x7, s10;
	s14 =	sadd.s32 @!p1 s5, s13;
	s15 =	sadd.s32 @!p1 $0x40, s12  }
0x24: {  	[tilespmem:s15], [sflag:$0x2] =	stream.linear.gather @!p1 [hbm4b:s14+s16], $0x1770, $0x38;
	[tilespmem:$0x5E00] =	vst v63  }
0x25: {  	s13 =	sadd.s32 @!p1 s7, s13;
	s12 =	sadd.s32 @!p1 $0x2F20, s12  }
0x26: {  	[tilespmem:s12], [sflag:$0x2] =	stream.linear.gather @!p1 [hbm4b:s13+s16], $0x1770, $0x38;
	[tilespmem:$0x5E00] =	vst v63  }
0x27: {  	p1 =	seq.s32 s11, $0x0  }
.Ltmp2:
0x28: {  	_ = 	snop;
	(pc) =	sbr.rel @p1 .LBB2_5-.Ltmp2, $1  }
0x29: {  	_ =	sdelay $0x3  }
0x2a: {  	s12 =	sand.u32 $0x1, s11  }
0x2b: {  	_ =	swait.ge [sflag:s6], $0x2EE0;
	p1 =	seq.s32 s12, $0x1;
	s12 =	simm.s32 $0x1770  }
0x2c: {  	[sflag:s6] =	ssyncset.done $0x0;
	s12 =	simm.s32 @!p1 $0x0  }
0x2d: {  	[sflag:s6] =	ssyncadd.s32 $0xFFFFD120;
	s14 =	sadd.s32 $0x40, s12  }
0x2e: {  	v0 =	vld.msk [tilespmem:s14+$0x0 ss:$0x1], $0xffff;
	_ =	sdelay $0x4  }
0x2f: {  	v0 =	vmin.u32 v0, $0x400;
	_ =	sdelay $0x3  }
0x30: {  	s13 =	simm.s32 $0x0;
	s12 =	sadd.s32 $0x2F20, s12;
	s14 =	sadd.s32 $0x10, s14  }
0x31: {  	[spmem:s9] =	stream.indirect_vreg.scatter.add.s32 [tilespmem:s12], [sflag:$0x1], $0x1, v0, vm0, $0x4038;
	[tilespmem:$0x5E00] =	vst v63  }
.LBB2_3:
0x32: {  	v0 =	vld.msk [tilespmem:s14+$0x0 ss:$0x1], $0xffff;
	s13 =	sadd.s32 $0x10, s13  }
0x33: {  	p1 =	slt.u32 s13, $0x1760;
	_ =	sdelay $0x4  }
0x34: {  	v0 =	vmin.u32 v0, $0x400  }
.Ltmp3:
0x35: {  	(pc) =	sbr.rel @p1 .LBB2_3-.Ltmp3, $3  }
0x36: {  	_ =	sdelay $0x1  }
0x37: {  	s14 =	sadd.s32 $0x10, s14;
	s12 =	sadd.s32 $0x10, s12  }
0x38: {  	[spmem:s9] =	stream.indirect_vreg.scatter.add.s32 [tilespmem:s12], [sflag:$0x1], $0x1, v0, vm0, $0x4038;
	[tilespmem:$0x5E00] =	vst v63  }
.Ltmp4:
0x39: {  	(pc) =	sbr.rel .LBB2_5-.Ltmp4, $4  }
0x3a: {  	_ = 	snop  }
0x3b: {  	_ =	swait.ge [sflag:s4], $0x1770  }
0x3c: {  	[sflag:s4] =	ssyncset.done $0x0  }
0x3d: {  	[sflag:s4] =	ssyncadd.s32 $0xFFFFE890  }
.LBB2_6:
0x3e: {  	_ =	sfence.sel $0x180000  }
0x3f: {  	s2 =	simm.s32 $0x2;
	[bflag:$0x0] =	sbarrier.arrive $0xFFFF  }
0x40: {  	s30 =	simm.s32 $0x1;
	[sflag:s2] =	ssyncpa.u1 $0x1  }
0x41: {  	[sflag:s30] =	ssyncpa.u1 $0x1  }
0x42: {  	_ =	sfence.stream.spmem  }
0x43: {  	s31 =	simm.s32 $0x3D;
	[bflag:$0x0] =	sbarrier.arrive $0xFFFF  }
0x44: {  	s2 =	simm.s32 @p0 $0x3D;
	[sflag:s31] =	ssyncpa.u1 $0x0  }
0x45: {  	[sflag:s2] =	ssyncpa.u1 @p0 $0x1  }
0x46: {  	[bflag:$0x0] =	sbarrier.arrive @p0 $0xFFFF  }
0x47: {  	_ =	strace @p0 $0x90000047  }
0x48: {  	s3 =	simm.s32 @!p0 $0x1C3D;
	s2 =	simm.s32 @!p0 $0x0;
	[bflag:$0x2] =	sbarrier.arrive @p0 $0xFFFF  }
0x49: {  	[hbm:s1], [sflag:s3] =	dma.local @!p0 [spmem:s2], $0x80  }
0x4a: {  	s1 =	simm.s32 @!p0 $0x3D  }
0x4b: {  	_ =	swait.ge @!p0 [sflag:s1], $0x80  }
0x4c: {  	[sflag:s1] =	ssyncset.done @!p0 $0x0  }
0x4d: {  	[sflag:s1] =	ssyncadd.s32 @!p0 $0xFFFFFF80  }
0x4e: {  	[sflag:s1] =	ssyncpa.u1 @!p0 $0x1  }
0x4f: {  	[bflag:$0x0] =	sbarrier.arrive @!p0 $0xFFFF  }
0x50: {  	_ =	strace @!p0 $0x90000047  }
0x51: {  	s0 =	sadd.s32 @!p0 $0x100000, s0;
	[bflag:$0x2] =	sbarrier.arrive @!p0 $0xFFFF  }
0x52: {  	[sflag:s0] =	ssyncadd.tile.s32 @!p0 $0x1;
	_ =	shalt  }
.Lfunc_end2:
_tile_overlayer_lowered:
.L_overlay_start_2:
0x53: {  	(tag) =	ssettag $0x2  }
0x54: {  	s0 =	rddreg [dreg:$0x0];
	s2 =	stileid.u32  }
0x55: {  	s1 =	rddreg [dreg:$0x1];
	p0 =	sne.s32 s2, $0x0  }
0x56: {  	s3 =	rddreg [dreg:$0x2];
	[bflag:$0x3] =	sbarrier.arrive $0xFFFF;
	s2 =	simm.s32 @!p0 $0x1C01  }
0x57: {  	[timem:s3], [sflag:s2] =	dma.local @!p0 [hbm:s0], s1  }
0x58: {  	s0 =	simm.s32 @!p0 $0x1  }
0x59: {  	_ =	swait.ge @!p0 [sflag:s0], s1  }
0x5a: {  	s1 =	ssub.s32 @!p0 $0x0, s1;
	[sflag:s0] =	ssyncset.done @!p0 $0x0  }
0x5b: {  	[sflag:s0] =	ssyncadd.s32 @!p0 s1  }
0x5c: {  	[bflag:$0x3] =	sbarrier.arrive $0xFFFF  }
0x5d: {  	_ =	shalt  }

</sc_bundles>
